<compile_context>
chip_gen: v7x
topology: tpu7x:2x2x1
jax: 0.10.2.dev20260603
libtpu: 0.0.44.dev20260713+nightly
codegen_flags: <defaults>
</compile_context>

<pallas_src>
import functools

import jax
import jax.numpy as jnp
from jax import lax
from jax.experimental import pallas as pl
from jax.experimental.pallas import tpu as pltpu
from jax.experimental.pallas import tpu_sc as plsc

N_NODES = 10000
N_EDGES = 160000
D_IN = 256
D_HID = 256
N_CLASSES = 128

NC = 2
NS = 16
L = 16

N_PAD = 10240
ROWS_PER_TILE = N_PAD // NS
B_EDGE = 128
NB = 79
E_PAD = NS * NB * B_EDGE
EPT32 = E_PAD // (NC * NS)

_mesh = plsc.VectorSubcoreMesh(core_axis_name="c", subcore_axis_name="s")
_sc_params = pltpu.CompilerParams(needs_layout_passes=False,
                                  use_tc_tiling_on_sc=False)


@functools.partial(
    pl.kernel,
    out_type=(
        jax.ShapeDtypeStruct((NC * NS, N_PAD), jnp.float32),
        jax.ShapeDtypeStruct((NC * NS, N_PAD), jnp.float32),
    ),
    mesh=_mesh,
    scratch_types=[
        pltpu.VMEM((EPT32,), jnp.int32),
        pltpu.VMEM((EPT32,), jnp.int32),
        pltpu.VMEM((N_PAD,), jnp.float32),
        pltpu.VMEM((N_PAD,), jnp.float32),
    ],
    compiler_params=_sc_params,
)
def _deg_kernel(src_hbm, dst_hbm, odeg_hbm, ideg_hbm, src_v, dst_v, oacc, iacc):
    wid = lax.axis_index("s") * NC + lax.axis_index("c")
    base = wid * EPT32
    pltpu.sync_copy(src_hbm.at[pl.ds(base, EPT32)], src_v)
    pltpu.sync_copy(dst_hbm.at[pl.ds(base, EPT32)], dst_v)

    zeros16 = jnp.zeros((L,), jnp.float32)

    def zero_body(i, _):
        oacc[pl.ds(i * L, L)] = zeros16
        iacc[pl.ds(i * L, L)] = zeros16
        return 0

    lax.fori_loop(0, N_PAD // L, zero_body, 0)

    ones16 = jnp.ones((L,), jnp.float32)

    def edge_body(i, _):
        s16 = src_v[pl.ds(i * L, L)]
        d16 = dst_v[pl.ds(i * L, L)]
        plsc.addupdate_scatter(oacc, [s16], ones16)
        plsc.addupdate_scatter(iacc, [d16], ones16)
        return 0

    lax.fori_loop(0, EPT32 // L, edge_body, 0)

    pltpu.sync_copy(oacc, odeg_hbm.at[wid])
    pltpu.sync_copy(iacc, ideg_hbm.at[wid])


def _make_agg_kernel(dc):

    @functools.partial(
        pl.kernel,
        out_type=(
            jax.ShapeDtypeStruct((N_PAD, dc), jnp.bfloat16),
            jax.ShapeDtypeStruct((N_PAD, dc), jnp.bfloat16),
        ),
        mesh=_mesh,
        scratch_types=[
            pltpu.VMEM((NB, B_EDGE), jnp.int32),
            pltpu.VMEM((NB, B_EDGE), jnp.int32),
            pltpu.VMEM((4, B_EDGE, dc), jnp.bfloat16),
            pltpu.VMEM_SHARED((N_PAD, dc), jnp.bfloat16),
            pltpu.SemaphoreType.DMA,
            pltpu.SemaphoreType.DMA,
        ],
        compiler_params=_sc_params,
    )
    def agg(ha_hbm, hb_hbm, src_hbm, dst_hbm, zeros_hbm, outa_hbm, outb_hbm,
            src_v, dst_v, rows_v, acc_sh, gsem, ssem):
        cid = lax.axis_index("c")
        sid = lax.axis_index("s")
        row0 = sid * ROWS_PER_TILE

        pltpu.sync_copy(src_hbm.at[sid], src_v)
        pltpu.sync_copy(dst_hbm.at[sid], dst_v)
        pltpu.sync_copy(zeros_hbm, acc_sh.at[pl.ds(row0, ROWS_PER_TILE)])
        plsc.subcore_barrier()

        def run(h_hbm, nb):
            pltpu.async_copy(h_hbm.at[src_v.at[0]], rows_v.at[0], gsem)
            pltpu.async_copy(h_hbm.at[src_v.at[1]], rows_v.at[1], gsem)

            def body(j, _):
                slot = lax.rem(j, 4)
                pltpu.make_async_copy(h_hbm.at[src_v.at[j]], rows_v.at[slot],
                                      gsem).wait()

                @pl.when(j >= 2)
                def _():
                    jp = j - 2
                    pltpu.make_async_copy(rows_v.at[lax.rem(jp, 4)],
                                          acc_sh.at[dst_v.at[jp]], ssem).wait()

                @pl.when(j + 2 < nb)
                def _():
                    pltpu.async_copy(h_hbm.at[src_v.at[j + 2]],
                                     rows_v.at[lax.rem(j + 2, 4)], gsem)

                pltpu.async_copy(rows_v.at[slot], acc_sh.at[dst_v.at[j]],
                                 ssem, add=True)
                return 0

            lax.fori_loop(0, nb, body, 0)
            for jl in (nb - 2, nb - 1):
                pltpu.make_async_copy(rows_v.at[lax.rem(jl, 4)],
                                      acc_sh.at[dst_v.at[jl]], ssem).wait()

        @pl.when(cid == 0)
        def _():
            run(ha_hbm, NB)

        @pl.when(cid == 1)
        def _():
            run(hb_hbm, NB)

        plsc.subcore_barrier()

        @pl.when(cid == 0)
        def _():
            pltpu.sync_copy(acc_sh.at[pl.ds(row0, ROWS_PER_TILE)],
                            outa_hbm.at[pl.ds(row0, ROWS_PER_TILE)])

        @pl.when(cid == 1)
        def _():
            pltpu.sync_copy(acc_sh.at[pl.ds(row0, ROWS_PER_TILE)],
                            outb_hbm.at[pl.ds(row0, ROWS_PER_TILE)])

    return agg


_agg128 = _make_agg_kernel(128)
_agg64 = _make_agg_kernel(64)


_ROW_BLK = 512
_N_BLKS = N_PAD // _ROW_BLK


def _scales(odeg_blk, ideg_blk):
    odeg = jnp.sum(odeg_blk, axis=0)
    ideg = jnp.sum(ideg_blk, axis=0)
    return (lax.rsqrt(jnp.maximum(odeg, 1.0)), lax.rsqrt(jnp.maximum(ideg, 1.0)))


def _prep_body(x_ref, w1_ref, odeg_ref, ideg_ref, h1a_ref, h1b_ref,
               sin_ref, sout_ref):
    s_out, s_in = _scales(odeg_ref[...], ideg_ref[...])
    sin_ref[...] = s_in[:, None]
    sout_ref[...] = s_out[:, None]
    h = jnp.dot((x_ref[...] * s_out[:, None]).astype(jnp.bfloat16),
                w1_ref[...].astype(jnp.bfloat16),
                preferred_element_type=jnp.float32).astype(jnp.bfloat16)
    h1a_ref[...] = h[:, :D_HID // 2]
    h1b_ref[...] = h[:, D_HID // 2:]


def _prep_call(x_pad, w1, odeg_p, ideg_p):
    return pl.pallas_call(
        _prep_body,
        grid=(_N_BLKS,),
        in_specs=[
            pl.BlockSpec((_ROW_BLK, D_IN), lambda i: (i, 0)),
            pl.BlockSpec((D_IN, D_HID), lambda i: (0, 0)),
            pl.BlockSpec((NC * NS, _ROW_BLK), lambda i: (0, i)),
            pl.BlockSpec((NC * NS, _ROW_BLK), lambda i: (0, i)),
        ],
        out_specs=(
            pl.BlockSpec((_ROW_BLK, D_HID // 2), lambda i: (i, 0)),
            pl.BlockSpec((_ROW_BLK, D_HID // 2), lambda i: (i, 0)),
            pl.BlockSpec((_ROW_BLK, 1), lambda i: (i, 0)),
            pl.BlockSpec((_ROW_BLK, 1), lambda i: (i, 0)),
        ),
        out_shape=(
            jax.ShapeDtypeStruct((N_PAD, D_HID // 2), jnp.bfloat16),
            jax.ShapeDtypeStruct((N_PAD, D_HID // 2), jnp.bfloat16),
            jax.ShapeDtypeStruct((N_PAD, 1), jnp.float32),
            jax.ShapeDtypeStruct((N_PAD, 1), jnp.float32),
        ),
    )(x_pad, w1, odeg_p, ideg_p)


def _mid_body(a1a_ref, a1b_ref, sin_ref, sout_ref, b1_ref, w2_ref,
              h2a_ref, h2b_ref):
    agg = jnp.concatenate(
        [a1a_ref[...].astype(jnp.float32), a1b_ref[...].astype(jnp.float32)],
        axis=1)
    z = jnp.maximum(agg * sin_ref[...] + b1_ref[...], 0.0)
    h2 = jnp.dot((z * sout_ref[...]).astype(jnp.bfloat16),
                 w2_ref[...].astype(jnp.bfloat16),
                 preferred_element_type=jnp.float32).astype(jnp.bfloat16)
    h2a_ref[...] = h2[:, :N_CLASSES // 2]
    h2b_ref[...] = h2[:, N_CLASSES // 2:]


def _mid_call(a1a, a1b, s_in, s_out, b1, w2):
    return pl.pallas_call(
        _mid_body,
        grid=(_N_BLKS,),
        in_specs=[
            pl.BlockSpec((_ROW_BLK, D_HID // 2), lambda i: (i, 0)),
            pl.BlockSpec((_ROW_BLK, D_HID // 2), lambda i: (i, 0)),
            pl.BlockSpec((_ROW_BLK, 1), lambda i: (i, 0)),
            pl.BlockSpec((_ROW_BLK, 1), lambda i: (i, 0)),
            pl.BlockSpec((1, D_HID), lambda i: (0, 0)),
            pl.BlockSpec((D_HID, N_CLASSES), lambda i: (0, 0)),
        ],
        out_specs=(
            pl.BlockSpec((_ROW_BLK, N_CLASSES // 2), lambda i: (i, 0)),
            pl.BlockSpec((_ROW_BLK, N_CLASSES // 2), lambda i: (i, 0)),
        ),
        out_shape=(
            jax.ShapeDtypeStruct((N_PAD, N_CLASSES // 2), jnp.bfloat16),
            jax.ShapeDtypeStruct((N_PAD, N_CLASSES // 2), jnp.bfloat16),
        ),
    )(a1a, a1b, s_in, s_out, b1, w2)


_F_BLK = 1000
_F_BLKS = N_NODES // _F_BLK


def _final_body(a2a_ref, a2b_ref, sin_ref, b2_ref, out_ref):
    agg = jnp.concatenate(
        [a2a_ref[...].astype(jnp.float32), a2b_ref[...].astype(jnp.float32)],
        axis=1)
    out_ref[...] = agg * sin_ref[...] + b2_ref[...]


def _final_call(a2a, a2b, s_in, b2):
    return pl.pallas_call(
        _final_body,
        grid=(_F_BLKS,),
        in_specs=[
            pl.BlockSpec((_F_BLK, N_CLASSES // 2), lambda i: (i, 0)),
            pl.BlockSpec((_F_BLK, N_CLASSES // 2), lambda i: (i, 0)),
            pl.BlockSpec((_F_BLK, 1), lambda i: (i, 0)),
            pl.BlockSpec((1, N_CLASSES), lambda i: (0, 0)),
        ],
        out_specs=pl.BlockSpec((_F_BLK, N_CLASSES), lambda i: (i, 0)),
        out_shape=jax.ShapeDtypeStruct((N_NODES, N_CLASSES), jnp.float32),
    )(a2a, a2b, s_in, b2)


def kernel(x, edge_index, W1, b1, W2, b2):
    src = edge_index[0]
    dst = edge_index[1]
    pad = jnp.full((E_PAD - N_EDGES,), N_NODES, dtype=jnp.int32)
    srcp = jnp.concatenate([src, pad])
    dstp = jnp.concatenate([dst, pad])
    src_b = srcp.reshape(NS, NB, B_EDGE)
    dst_b = dstp.reshape(NS, NB, B_EDGE)

    x_pad = jnp.pad(x, ((0, N_PAD - N_NODES), (0, 0)))
    z128 = jnp.zeros((ROWS_PER_TILE, 128), jnp.bfloat16)
    z64 = jnp.zeros((ROWS_PER_TILE, 64), jnp.bfloat16)

    odeg_p, ideg_p = _deg_kernel(srcp, dstp)

    h1a, h1b, s_in, s_out = _prep_call(x_pad, W1, odeg_p, ideg_p)
    a1a, a1b = _agg128(h1a, h1b, src_b, dst_b, z128)
    h2a, h2b = _mid_call(a1a, a1b, s_in, s_out, b1.reshape(1, -1), W2)
    a2a, a2b = _agg64(h2a, h2b, src_b, dst_b, z64)
    return _final_call(a2a, a2b, s_in, b2.reshape(1, -1))

# --- scband reference (transcript-rebuilt; emitter-appended) ---
"""Pipeline reference for scband-gcn-full-dgl-38225208934551 (READ-ONLY COPY).

The authoritative reference and input builder live on the scoring server;
editing this copy changes nothing except your own understanding.
"""

import jax, jax.numpy as jnp
import numpy as np

N_NODES = 10000
N_EDGES = 160000
D_IN = 256
D_HID = 256
N_CLASSES = 128


def setup_inputs(seed: int = 0) -> dict:
    key = jax.random.key(seed)
    k1, k2, k3, k4, k5, k6 = jax.random.split(key, 6)
    x = jax.random.normal(k1, (N_NODES, D_IN), dtype=jnp.float32)
    edge_index = jax.random.randint(k2, (2, N_EDGES), 0, N_NODES, dtype=jnp.int32)
    W1 = jax.random.normal(k3, (D_IN, D_HID), dtype=jnp.float32) / jnp.sqrt(D_IN)
    b1 = jnp.zeros((D_HID,), dtype=jnp.float32)
    W2 = jax.random.normal(k4, (D_HID, N_CLASSES), dtype=jnp.float32) / jnp.sqrt(D_HID)
    b2 = jnp.zeros((N_CLASSES,), dtype=jnp.float32)
    return {"x": x, "edge_index": edge_index, "W1": W1, "b1": b1, "W2": W2, "b2": b2}


def _gcn_layer(x, src, dst, W, b, activation):
    # DGL GraphConv with norm='both': h = D_in^{-1/2} A D_out^{-1/2} X W + b
    ones = jnp.ones((src.shape[0],), dtype=x.dtype)
    out_deg = jnp.clip(jax.ops.segment_sum(ones, src, num_segments=N_NODES), 1.0)
    in_deg = jnp.clip(jax.ops.segment_sum(ones, dst, num_segments=N_NODES), 1.0)
    h = x * (out_deg ** -0.5)[:, None]
    h = h @ W  # apply weight before aggregation (DGL does this when in_feats > out_feats; math-equivalent)
    agg = jax.ops.segment_sum(jnp.take(h, src, axis=0), dst, num_segments=N_NODES)
    agg = agg * (in_deg ** -0.5)[:, None]
    agg = agg + b
    if activation:
        agg = jax.nn.relu(agg)
    return agg


def reference(x, edge_index, W1, b1, W2, b2):
    src = edge_index[0]
    dst = edge_index[1]
    h = _gcn_layer(x, src, dst, W1, b1, True)
    out = _gcn_layer(h, src, dst, W2, b2, False)
    return out

if __name__ == "__main__":
    import jax
    _d = setup_inputs()
    print(jax.jit(kernel)(*tuple(_d.values())))

</pallas_src>

<mosaic_0001>
#map = affine_map<(d0, d1) -> (0)>
#map1 = affine_map<(d0, d1) -> (0, 0)>
module attributes {stable_mosaic.version = 14 : i64} {
  func.func @_deg_kernel(%arg0: i32, %arg1: i32, %arg2: memref<161792xi32, #tpu.memory_space<hbm>>, %arg3: memref<161792xi32, #tpu.memory_space<hbm>>, %arg4: memref<32x10240xf32, #tpu.memory_space<hbm>>, %arg5: memref<32x10240xf32, #tpu.memory_space<hbm>>, %arg6: memref<5056xi32, #tpu.memory_space<vmem>>, %arg7: memref<5056xi32, #tpu.memory_space<vmem>>, %arg8: memref<10240xf32, #tpu.memory_space<vmem>>, %arg9: memref<10240xf32, #tpu.memory_space<vmem>>) attributes {dimension_semantics = [#tpu.dimension_semantics<core_parallel>, #tpu.dimension_semantics<subcore_parallel>], iteration_bounds = array<i64: 2, 16>, scalar_prefetch = 0 : i64, scratch_operands = 4 : i64, tpu.core_type = #tpu.core_type<sc_vector_subcore>, window_params = [{transform_indices = #map}, {transform_indices = #map}, {transform_indices = #map1}, {transform_indices = #map1}]} {
    %mul3A = arith.constant 2 : i32
    %mul3A_0 = arith.muli %arg1, %mul3A : i32
    %add3A = arith.addi %mul3A_0, %arg0 : i32
    %mul3A_1 = arith.constant 5056 : i32
    %mul3A_2 = arith.muli %add3A, %mul3A_1 : i32
    "tpu.region"() ({
      %run_scoped3A = tpu.sem_alloc : memref<!tpu.dma_semaphore, #tpu.memory_space<semaphore_mem>>
      %dma_start3A = tpu.memref_slice %arg2[%mul3A_2] : memref<161792xi32, #tpu.memory_space<hbm>> -> memref<5056xi32, #tpu.memory_space<hbm>>
      %dma_start3A_19 = tpu.memref_slice %arg2[%mul3A_2] : memref<161792xi32, #tpu.memory_space<hbm>> -> memref<5056xi32, #tpu.memory_space<hbm>>
      tpu.enqueue_dma source(%dma_start3A_19 : memref<5056xi32, #tpu.memory_space<hbm>>) target(%arg6 : memref<5056xi32, #tpu.memory_space<vmem>>) target_semaphore(%run_scoped3A : memref<!tpu.dma_semaphore, #tpu.memory_space<semaphore_mem>>)
      %dma_wait3A = tpu.memref_slice %arg2[%mul3A_2] : memref<161792xi32, #tpu.memory_space<hbm>> -> memref<5056xi32, #tpu.memory_space<hbm>>
      %dma_wait3A_20 = tpu.memref_slice %arg2[%mul3A_2] : memref<161792xi32, #tpu.memory_space<hbm>> -> memref<5056xi32, #tpu.memory_space<hbm>>
      tpu.wait_dma2 semaphore(%run_scoped3A : memref<!tpu.dma_semaphore, #tpu.memory_space<semaphore_mem>>) src(%dma_wait3A_20 : memref<5056xi32, #tpu.memory_space<hbm>>) dst(%arg6 : memref<5056xi32, #tpu.memory_space<vmem>>)
      tpu.yield
    }) : () -> ()
    "tpu.region"() ({
      %run_scoped3A = tpu.sem_alloc : memref<!tpu.dma_semaphore, #tpu.memory_space<semaphore_mem>>
      %dma_start3A = tpu.memref_slice %arg3[%mul3A_2] : memref<161792xi32, #tpu.memory_space<hbm>> -> memref<5056xi32, #tpu.memory_space<hbm>>
      %dma_start3A_19 = tpu.memref_slice %arg3[%mul3A_2] : memref<161792xi32, #tpu.memory_space<hbm>> -> memref<5056xi32, #tpu.memory_space<hbm>>
      tpu.enqueue_dma source(%dma_start3A_19 : memref<5056xi32, #tpu.memory_space<hbm>>) target(%arg7 : memref<5056xi32, #tpu.memory_space<vmem>>) target_semaphore(%run_scoped3A : memref<!tpu.dma_semaphore, #tpu.memory_space<semaphore_mem>>)
      %dma_wait3A = tpu.memref_slice %arg3[%mul3A_2] : memref<161792xi32, #tpu.memory_space<hbm>> -> memref<5056xi32, #tpu.memory_space<hbm>>
      %dma_wait3A_20 = tpu.memref_slice %arg3[%mul3A_2] : memref<161792xi32, #tpu.memory_space<hbm>> -> memref<5056xi32, #tpu.memory_space<hbm>>
      tpu.wait_dma2 semaphore(%run_scoped3A : memref<!tpu.dma_semaphore, #tpu.memory_space<semaphore_mem>>) src(%dma_wait3A_20 : memref<5056xi32, #tpu.memory_space<hbm>>) dst(%arg7 : memref<5056xi32, #tpu.memory_space<vmem>>)
      tpu.yield
    }) : () -> ()
    %broadcast_in_dim3A = arith.constant 0.000000e+00 : f32
    %broadcast_in_dim3A_3 = vector.broadcast %broadcast_in_dim3A : f32 to vector<16xf32>
    %scan3A = arith.constant 0 : i32
    %scan3A_4 = arith.constant 0 : i32
    %scan3A_5 = arith.constant 640 : i32
    %scan3A_6 = arith.addi %scan3A_4, %scan3A_5 : i32
    %scan3A_7 = arith.constant 1 : i32
    %scan3A_8 = scf.for %scan3A_19 = %scan3A_4 to %scan3A_6 step %scan3A_7 iter_args(%scan3A_20 = %scan3A) -> (i32)  : i32 {
      %mul3A_21 = arith.constant 16 : i32
      %mul3A_22 = arith.muli %scan3A_19, %mul3A_21 : i32
      %swap3A = arith.index_cast %mul3A_22 : i32 to index
      %swap3A_23 = tpu.vector_load %arg8[%swap3A] {strides = array<i32>} : memref<10240xf32, #tpu.memory_space<vmem>>, vector<16xf32>,
      tpu.vector_store %arg8[%swap3A], %broadcast_in_dim3A_3 {strides = array<i32>} : memref<10240xf32, #tpu.memory_space<vmem>>, vector<16xf32>,
      %mul3A_24 = arith.constant 16 : i32
      %mul3A_25 = arith.muli %scan3A_19, %mul3A_24 : i32
      %swap3A_26 = arith.index_cast %mul3A_25 : i32 to index
      %swap3A_27 = tpu.vector_load %arg9[%swap3A_26] {strides = array<i32>} : memref<10240xf32, #tpu.memory_space<vmem>>, vector<16xf32>,
      tpu.vector_store %arg9[%swap3A_26], %broadcast_in_dim3A_3 {strides = array<i32>} : memref<10240xf32, #tpu.memory_space<vmem>>, vector<16xf32>,
      %scan3A_28 = arith.constant 0 : i32
      scf.yield %scan3A_28 : i32
    }
    %scan3A_9 = arith.constant 640 : i32
    %broadcast_in_dim3A_10 = arith.constant 1.000000e+00 : f32
    %broadcast_in_dim3A_11 = vector.broadcast %broadcast_in_dim3A_10 : f32 to vector<16xf32>
    %scan3A_12 = arith.constant 0 : i32
    %scan3A_13 = arith.constant 0 : i32
    %scan3A_14 = arith.constant 316 : i32
    %scan3A_15 = arith.addi %scan3A_13, %scan3A_14 : i32
    %scan3A_16 = arith.constant 1 : i32
    %scan3A_17 = scf.for %scan3A_19 = %scan3A_13 to %scan3A_15 step %scan3A_16 iter_args(%scan3A_20 = %scan3A_12) -> (i32)  : i32 {
      %mul3A_21 = arith.constant 16 : i32
      %mul3A_22 = arith.muli %scan3A_19, %mul3A_21 : i32
      %get3A = arith.index_cast %mul3A_22 : i32 to index
      %get3A_23 = tpu.vector_load %arg6[%get3A] {strides = array<i32>} : memref<5056xi32, #tpu.memory_space<vmem>>, vector<16xi32>,
      %mul3A_24 = arith.constant 16 : i32
      %mul3A_25 = arith.muli %scan3A_19, %mul3A_24 : i32
      %get3A_26 = arith.index_cast %mul3A_25 : i32 to index
      %get3A_27 = tpu.vector_load %arg7[%get3A_26] {strides = array<i32>} : memref<5056xi32, #tpu.memory_space<vmem>>, vector<16xi32>,
      tpu.vector_store_idx %arg8[%get3A_23], %broadcast_in_dim3A_11 {add = true} : memref<10240xf32, #tpu.memory_space<vmem>>[vector<16xi32>], vector<16xf32>,
      tpu.vector_store_idx %arg9[%get3A_27], %broadcast_in_dim3A_11 {add = true} : memref<10240xf32, #tpu.memory_space<vmem>>[vector<16xi32>], vector<16xf32>,
      %scan3A_28 = arith.constant 0 : i32
      scf.yield %scan3A_28 : i32
    }
    %scan3A_18 = arith.constant 316 : i32
    "tpu.region"() ({
      %run_scoped3A = tpu.sem_alloc : memref<!tpu.dma_semaphore, #tpu.memory_space<semaphore_mem>>
      %dma_start3A = arith.constant 0 : i32
      %dma_start3A_19 = tpu.memref_slice %arg4[%add3A, %dma_start3A] : memref<32x10240xf32, #tpu.memory_space<hbm>> -> memref<1x10240xf32, #tpu.memory_space<hbm>>
      %dma_start3A_20 = tpu.memref_squeeze %dma_start3A_19 : memref<1x10240xf32, #tpu.memory_space<hbm>> -> memref<10240xf32, #tpu.memory_space<hbm>>
      %dma_start3A_21 = arith.constant 0 : i32
      %dma_start3A_22 = tpu.memref_slice %arg4[%add3A, %dma_start3A_21] : memref<32x10240xf32, #tpu.memory_space<hbm>> -> memref<1x10240xf32, #tpu.memory_space<hbm>>
      %dma_start3A_23 = tpu.memref_squeeze %dma_start3A_22 : memref<1x10240xf32, #tpu.memory_space<hbm>> -> memref<10240xf32, #tpu.memory_space<hbm>>
      tpu.enqueue_dma source(%arg8 : memref<10240xf32, #tpu.memory_space<vmem>>) target(%dma_start3A_23 : memref<10240xf32, #tpu.memory_space<hbm>>) target_semaphore(%run_scoped3A : memref<!tpu.dma_semaphore, #tpu.memory_space<semaphore_mem>>)
      %dma_wait3A = arith.constant 0 : i32
      %dma_wait3A_24 = tpu.memref_slice %arg4[%add3A, %dma_wait3A] : memref<32x10240xf32, #tpu.memory_space<hbm>> -> memref<1x10240xf32, #tpu.memory_space<hbm>>
      %dma_wait3A_25 = tpu.memref_squeeze %dma_wait3A_24 : memref<1x10240xf32, #tpu.memory_space<hbm>> -> memref<10240xf32, #tpu.memory_space<hbm>>
      %dma_wait3A_26 = arith.constant 0 : i32
      %dma_wait3A_27 = tpu.memref_slice %arg4[%add3A, %dma_wait3A_26] : memref<32x10240xf32, #tpu.memory_space<hbm>> -> memref<1x10240xf32, #tpu.memory_space<hbm>>
      %dma_wait3A_28 = tpu.memref_squeeze %dma_wait3A_27 : memref<1x10240xf32, #tpu.memory_space<hbm>> -> memref<10240xf32, #tpu.memory_space<hbm>>
      tpu.wait_dma2 semaphore(%run_scoped3A : memref<!tpu.dma_semaphore, #tpu.memory_space<semaphore_mem>>) src(%arg8 : memref<10240xf32, #tpu.memory_space<vmem>>) dst(%dma_wait3A_28 : memref<10240xf32, #tpu.memory_space<hbm>>)
      tpu.yield
    }) : () -> ()
    "tpu.region"() ({
      %run_scoped3A = tpu.sem_alloc : memref<!tpu.dma_semaphore, #tpu.memory_space<semaphore_mem>>
      %dma_start3A = arith.constant 0 : i32
      %dma_start3A_19 = tpu.memref_slice %arg5[%add3A, %dma_start3A] : memref<32x10240xf32, #tpu.memory_space<hbm>> -> memref<1x10240xf32, #tpu.memory_space<hbm>>
      %dma_start3A_20 = tpu.memref_squeeze %dma_start3A_19 : memref<1x10240xf32, #tpu.memory_space<hbm>> -> memref<10240xf32, #tpu.memory_space<hbm>>
      %dma_start3A_21 = arith.constant 0 : i32
      %dma_start3A_22 = tpu.memref_slice %arg5[%add3A, %dma_start3A_21] : memref<32x10240xf32, #tpu.memory_space<hbm>> -> memref<1x10240xf32, #tpu.memory_space<hbm>>
      %dma_start3A_23 = tpu.memref_squeeze %dma_start3A_22 : memref<1x10240xf32, #tpu.memory_space<hbm>> -> memref<10240xf32, #tpu.memory_space<hbm>>
      tpu.enqueue_dma source(%arg9 : memref<10240xf32, #tpu.memory_space<vmem>>) target(%dma_start3A_23 : memref<10240xf32, #tpu.memory_space<hbm>>) target_semaphore(%run_scoped3A : memref<!tpu.dma_semaphore, #tpu.memory_space<semaphore_mem>>)
      %dma_wait3A = arith.constant 0 : i32
      %dma_wait3A_24 = tpu.memref_slice %arg5[%add3A, %dma_wait3A] : memref<32x10240xf32, #tpu.memory_space<hbm>> -> memref<1x10240xf32, #tpu.memory_space<hbm>>
      %dma_wait3A_25 = tpu.memref_squeeze %dma_wait3A_24 : memref<1x10240xf32, #tpu.memory_space<hbm>> -> memref<10240xf32, #tpu.memory_space<hbm>>
      %dma_wait3A_26 = arith.constant 0 : i32
      %dma_wait3A_27 = tpu.memref_slice %arg5[%add3A, %dma_wait3A_26] : memref<32x10240xf32, #tpu.memory_space<hbm>> -> memref<1x10240xf32, #tpu.memory_space<hbm>>
      %dma_wait3A_28 = tpu.memref_squeeze %dma_wait3A_27 : memref<1x10240xf32, #tpu.memory_space<hbm>> -> memref<10240xf32, #tpu.memory_space<hbm>>
      tpu.wait_dma2 semaphore(%run_scoped3A : memref<!tpu.dma_semaphore, #tpu.memory_space<semaphore_mem>>) src(%arg9 : memref<10240xf32, #tpu.memory_space<vmem>>) dst(%dma_wait3A_28 : memref<10240xf32, #tpu.memory_space<hbm>>)
      tpu.yield
    }) : () -> ()
    return
  }
}

#map = affine_map<(d0, d1) -> (0, 0)>
#map1 = affine_map<(d0, d1) -> (0, 0, 0)>
module attributes {stable_mosaic.version = 14 : i64} {
  func.func @agg(%arg0: i32, %arg1: i32, %arg2: memref<10240x64xbf16, #tpu.memory_space<hbm>>, %arg3: memref<10240x64xbf16, #tpu.memory_space<hbm>>, %arg4: memref<16x79x128xi32, #tpu.memory_space<hbm>>, %arg5: memref<16x79x128xi32, #tpu.memory_space<hbm>>, %arg6: memref<640x64xbf16, #tpu.memory_space<hbm>>, %arg7: memref<10240x64xbf16, #tpu.memory_space<hbm>>, %arg8: memref<10240x64xbf16, #tpu.memory_space<hbm>>, %arg9: memref<79x128xi32, #tpu.memory_space<vmem>>, %arg10: memref<79x128xi32, #tpu.memory_space<vmem>>, %arg11: memref<4x128x64xbf16, #tpu.memory_space<vmem>>, %arg12: memref<10240x64xbf16, #tpu.memory_space<vmem_shared>>, %arg13: memref<!tpu.dma_semaphore, #tpu.memory_space<semaphore_mem>>, %arg14: memref<!tpu.dma_semaphore, #tpu.memory_space<semaphore_mem>>) attributes {dimension_semantics = [#tpu.dimension_semantics<core_parallel>, #tpu.dimension_semantics<subcore_parallel>], iteration_bounds = array<i64: 2, 16>, scalar_prefetch = 0 : i64, scratch_operands = 6 : i64, tpu.core_type = #tpu.core_type<sc_vector_subcore>, window_params = [{transform_indices = #map}, {transform_indices = #map}, {transform_indices = #map1}, {transform_indices = #map1}, {transform_indices = #map}, {transform_indices = #map}, {transform_indices = #map}]} {
    %mul3A = arith.constant 640 : i32
    %mul3A_0 = arith.muli %arg1, %mul3A : i32
    "tpu.region"() ({
      %run_scoped3A = tpu.sem_alloc : memref<!tpu.dma_semaphore, #tpu.memory_space<semaphore_mem>>
      %dma_start3A = arith.constant 0 : i32
      %dma_start3A_19 = arith.constant 0 : i32
      %dma_start3A_20 = tpu.memref_slice %arg4[%arg1, %dma_start3A, %dma_start3A_19] : memref<16x79x128xi32, #tpu.memory_space<hbm>> -> memref<1x79x128xi32, #tpu.memory_space<hbm>>
      %dma_start3A_21 = tpu.memref_squeeze %dma_start3A_20 : memref<1x79x128xi32, #tpu.memory_space<hbm>> -> memref<79x128xi32, #tpu.memory_space<hbm>>
      %dma_start3A_22 = arith.constant 0 : i32
      %dma_start3A_23 = arith.constant 0 : i32
      %dma_start3A_24 = tpu.memref_slice %arg4[%arg1, %dma_start3A_22, %dma_start3A_23] : memref<16x79x128xi32, #tpu.memory_space<hbm>> -> memref<1x79x128xi32, #tpu.memory_space<hbm>>
      %dma_start3A_25 = tpu.memref_squeeze %dma_start3A_24 : memref<1x79x128xi32, #tpu.memory_space<hbm>> -> memref<79x128xi32, #tpu.memory_space<hbm>>
      tpu.enqueue_dma source(%dma_start3A_25 : memref<79x128xi32, #tpu.memory_space<hbm>>) target(%arg9 : memref<79x128xi32, #tpu.memory_space<vmem>>) target_semaphore(%run_scoped3A : memref<!tpu.dma_semaphore, #tpu.memory_space<semaphore_mem>>)
      %dma_wait3A = arith.constant 0 : i32
      %dma_wait3A_26 = arith.constant 0 : i32
      %dma_wait3A_27 = tpu.memref_slice %arg4[%arg1, %dma_wait3A, %dma_wait3A_26] : memref<16x79x128xi32, #tpu.memory_space<hbm>> -> memref<1x79x128xi32, #tpu.memory_space<hbm>>
      %dma_wait3A_28 = tpu.memref_squeeze %dma_wait3A_27 : memref<1x79x128xi32, #tpu.memory_space<hbm>> -> memref<79x128xi32, #tpu.memory_space<hbm>>
      %dma_wait3A_29 = arith.constant 0 : i32
      %dma_wait3A_30 = arith.constant 0 : i32
      %dma_wait3A_31 = tpu.memref_slice %arg4[%arg1, %dma_wait3A_29, %dma_wait3A_30] : memref<16x79x128xi32, #tpu.memory_space<hbm>> -> memref<1x79x128xi32, #tpu.memory_space<hbm>>
      %dma_wait3A_32 = tpu.memref_squeeze %dma_wait3A_31 : memref<1x79x128xi32, #tpu.memory_space<hbm>> -> memref<79x128xi32, #tpu.memory_space<hbm>>
      tpu.wait_dma2 semaphore(%run_scoped3A : memref<!tpu.dma_semaphore, #tpu.memory_space<semaphore_mem>>) src(%dma_wait3A_32 : memref<79x128xi32, #tpu.memory_space<hbm>>) dst(%arg9 : memref<79x128xi32, #tpu.memory_space<vmem>>)
      tpu.yield
    }) : () -> ()
    "tpu.region"() ({
      %run_scoped3A = tpu.sem_alloc : memref<!tpu.dma_semaphore, #tpu.memory_space<semaphore_mem>>
      %dma_start3A = arith.constant 0 : i32
      %dma_start3A_19 = arith.constant 0 : i32
      %dma_start3A_20 = tpu.memref_slice %arg5[%arg1, %dma_start3A, %dma_start3A_19] : memref<16x79x128xi32, #tpu.memory_space<hbm>> -> memref<1x79x128xi32, #tpu.memory_space<hbm>>
      %dma_start3A_21 = tpu.memref_squeeze %dma_start3A_20 : memref<1x79x128xi32, #tpu.memory_space<hbm>> -> memref<79x128xi32, #tpu.memory_space<hbm>>
      %dma_start3A_22 = arith.constant 0 : i32
      %dma_start3A_23 = arith.constant 0 : i32
      %dma_start3A_24 = tpu.memref_slice %arg5[%arg1, %dma_start3A_22, %dma_start3A_23] : memref<16x79x128xi32, #tpu.memory_space<hbm>> -> memref<1x79x128xi32, #tpu.memory_space<hbm>>
      %dma_start3A_25 = tpu.memref_squeeze %dma_start3A_24 : memref<1x79x128xi32, #tpu.memory_space<hbm>> -> memref<79x128xi32, #tpu.memory_space<hbm>>
      tpu.enqueue_dma source(%dma_start3A_25 : memref<79x128xi32, #tpu.memory_space<hbm>>) target(%arg10 : memref<79x128xi32, #tpu.memory_space<vmem>>) target_semaphore(%run_scoped3A : memref<!tpu.dma_semaphore, #tpu.memory_space<semaphore_mem>>)
      %dma_wait3A = arith.constant 0 : i32
      %dma_wait3A_26 = arith.constant 0 : i32
      %dma_wait3A_27 = tpu.memref_slice %arg5[%arg1, %dma_wait3A, %dma_wait3A_26] : memref<16x79x128xi32, #tpu.memory_space<hbm>> -> memref<1x79x128xi32, #tpu.memory_space<hbm>>
      %dma_wait3A_28 = tpu.memref_squeeze %dma_wait3A_27 : memref<1x79x128xi32, #tpu.memory_space<hbm>> -> memref<79x128xi32, #tpu.memory_space<hbm>>
      %dma_wait3A_29 = arith.constant 0 : i32
      %dma_wait3A_30 = arith.constant 0 : i32
      %dma_wait3A_31 = tpu.memref_slice %arg5[%arg1, %dma_wait3A_29, %dma_wait3A_30] : memref<16x79x128xi32, #tpu.memory_space<hbm>> -> memref<1x79x128xi32, #tpu.memory_space<hbm>>
      %dma_wait3A_32 = tpu.memref_squeeze %dma_wait3A_31 : memref<1x79x128xi32, #tpu.memory_space<hbm>> -> memref<79x128xi32, #tpu.memory_space<hbm>>
      tpu.wait_dma2 semaphore(%run_scoped3A : memref<!tpu.dma_semaphore, #tpu.memory_space<semaphore_mem>>) src(%dma_wait3A_32 : memref<79x128xi32, #tpu.memory_space<hbm>>) dst(%arg10 : memref<79x128xi32, #tpu.memory_space<vmem>>)
      tpu.yield
    }) : () -> ()
    "tpu.region"() ({
      %run_scoped3A = tpu.sem_alloc : memref<!tpu.dma_semaphore, #tpu.memory_space<semaphore_mem>>
      %dma_start3A = arith.constant 0 : i32
      %dma_start3A_19 = tpu.memref_slice %arg12[%mul3A_0, %dma_start3A] : memref<10240x64xbf16, #tpu.memory_space<vmem_shared>> -> memref<640x64xbf16, #tpu.memory_space<vmem_shared>>
      tpu.enqueue_dma source(%arg6 : memref<640x64xbf16, #tpu.memory_space<hbm>>) target(%dma_start3A_19 : memref<640x64xbf16, #tpu.memory_space<vmem_shared>>) target_semaphore(%run_scoped3A : memref<!tpu.dma_semaphore, #tpu.memory_space<semaphore_mem>>)
      %dma_wait3A = arith.constant 0 : i32
      %dma_wait3A_20 = tpu.memref_slice %arg12[%mul3A_0, %dma_wait3A] : memref<10240x64xbf16, #tpu.memory_space<vmem_shared>> -> memref<640x64xbf16, #tpu.memory_space<vmem_shared>>
      tpu.wait_dma2 semaphore(%run_scoped3A : memref<!tpu.dma_semaphore, #tpu.memory_space<semaphore_mem>>) src(%arg6 : memref<640x64xbf16, #tpu.memory_space<hbm>>) dst(%dma_wait3A_20 : memref<640x64xbf16, #tpu.memory_space<vmem_shared>>)
      tpu.yield
    }) : () -> ()
    %barrier3A = arith.constant 0 : index
    tpu.barrier barrier_id(%barrier3A)
    %eq3A = arith.constant 0 : i32
    %eq3A_1 = arith.cmpi eq, %arg0, %eq3A : i32
    %convert_element_type3A = arith.extui %eq3A_1 : i1 to i32
    %cond3A = arith.constant 0 : i32
    %cond3A_2 = arith.cmpi ne, %convert_element_type3A, %cond3A : i32
    scf.if %cond3A_2 {
      %dma_start3A = arith.constant 0 : i32
      %dma_start3A_19 = arith.constant 0 : i32
      %dma_start3A_20 = arith.constant 0 : i32
      %dma_start3A_21 = arith.constant 0 : i32
      %dma_start3A_22 = tpu.memref_slice %arg11[%dma_start3A_19, %dma_start3A_20, %dma_start3A_21] : memref<4x128x64xbf16, #tpu.memory_space<vmem>> -> memref<1x128x64xbf16, #tpu.memory_space<vmem>>
      %dma_start3A_23 = tpu.memref_squeeze %dma_start3A_22 : memref<1x128x64xbf16, #tpu.memory_space<vmem>> -> memref<128x64xbf16, #tpu.memory_space<vmem>>
      %dma_start3A_24 = arith.constant 0 : i32
      %dma_start3A_25 = tpu.memref_slice %arg9[%dma_start3A, %dma_start3A_24] : memref<79x128xi32, #tpu.memory_space<vmem>> -> memref<1x128xi32, #tpu.memory_space<vmem>>
      %dma_start3A_26 = tpu.memref_squeeze %dma_start3A_25 : memref<1x128xi32, #tpu.memory_space<vmem>> -> memref<128xi32, #tpu.memory_space<vmem>>
      %dma_start3A_27 = arith.constant 0 : i32
      %dma_start3A_28 = arith.constant 0 : i32
      %dma_start3A_29 = tpu.memref_slice %arg2[%dma_start3A_27, %dma_start3A_28] : memref<10240x64xbf16, #tpu.memory_space<hbm>> -> memref<10240x64xbf16, #tpu.memory_space<hbm>>
      tpu.enqueue_indirect_dma source(%dma_start3A_29 : memref<10240x64xbf16, #tpu.memory_space<hbm>>) target(%dma_start3A_23 : memref<128x64xbf16, #tpu.memory_space<vmem>>) offsets(%dma_start3A_26 : memref<128xi32, #tpu.memory_space<vmem>>) semaphore(%arg13 : memref<!tpu.dma_semaphore, #tpu.memory_space<semaphore_mem>>)
      %dma_start3A_30 = arith.constant 1 : i32
      %dma_start3A_31 = arith.constant 1 : i32
      %dma_start3A_32 = arith.constant 0 : i32
      %dma_start3A_33 = arith.constant 0 : i32
      %dma_start3A_34 = tpu.memref_slice %arg11[%dma_start3A_31, %dma_start3A_32, %dma_start3A_33] : memref<4x128x64xbf16, #tpu.memory_space<vmem>> -> memref<1x128x64xbf16, #tpu.memory_space<vmem>>
      %dma_start3A_35 = tpu.memref_squeeze %dma_start3A_34 : memref<1x128x64xbf16, #tpu.memory_space<vmem>> -> memref<128x64xbf16, #tpu.memory_space<vmem>>
      %dma_start3A_36 = arith.constant 0 : i32
      %dma_start3A_37 = tpu.memref_slice %arg9[%dma_start3A_30, %dma_start3A_36] : memref<79x128xi32, #tpu.memory_space<vmem>> -> memref<1x128xi32, #tpu.memory_space<vmem>>
      %dma_start3A_38 = tpu.memref_squeeze %dma_start3A_37 : memref<1x128xi32, #tpu.memory_space<vmem>> -> memref<128xi32, #tpu.memory_space<vmem>>
      %dma_start3A_39 = arith.constant 0 : i32
      %dma_start3A_40 = arith.constant 0 : i32
      %dma_start3A_41 = tpu.memref_slice %arg2[%dma_start3A_39, %dma_start3A_40] : memref<10240x64xbf16, #tpu.memory_space<hbm>> -> memref<10240x64xbf16, #tpu.memory_space<hbm>>
      tpu.enqueue_indirect_dma source(%dma_start3A_41 : memref<10240x64xbf16, #tpu.memory_space<hbm>>) target(%dma_start3A_35 : memref<128x64xbf16, #tpu.memory_space<vmem>>) offsets(%dma_start3A_38 : memref<128xi32, #tpu.memory_space<vmem>>) semaphore(%arg13 : memref<!tpu.dma_semaphore, #tpu.memory_space<semaphore_mem>>)
      %scan3A = arith.constant 0 : i32
      %scan3A_42 = arith.constant 0 : i32
      %scan3A_43 = arith.constant 79 : i32
      %scan3A_44 = arith.addi %scan3A_42, %scan3A_43 : i32
      %scan3A_45 = arith.constant 1 : i32
      %scan3A_46 = scf.for %scan3A_74 = %scan3A_42 to %scan3A_44 step %scan3A_45 iter_args(%scan3A_75 = %scan3A) -> (i32)  : i32 {
        %rem3A_76 = arith.constant 4 : i32
        %rem3A_77 = arith.remsi %scan3A_74, %rem3A_76 : i32
        %dma_wait3A_78 = arith.constant 0 : i32
        %dma_wait3A_79 = arith.constant 0 : i32
        %dma_wait3A_80 = tpu.memref_slice %arg11[%rem3A_77, %dma_wait3A_78, %dma_wait3A_79] : memref<4x128x64xbf16, #tpu.memory_space<vmem>> -> memref<1x128x64xbf16, #tpu.memory_space<vmem>>
        %dma_wait3A_81 = tpu.memref_squeeze %dma_wait3A_80 : memref<1x128x64xbf16, #tpu.memory_space<vmem>> -> memref<128x64xbf16, #tpu.memory_space<vmem>>
        %dma_wait3A_82 = arith.constant 0 : i32
        %dma_wait3A_83 = tpu.memref_slice %arg9[%scan3A_74, %dma_wait3A_82] : memref<79x128xi32, #tpu.memory_space<vmem>> -> memref<1x128xi32, #tpu.memory_space<vmem>>
        %dma_wait3A_84 = tpu.memref_squeeze %dma_wait3A_83 : memref<1x128xi32, #tpu.memory_space<vmem>> -> memref<128xi32, #tpu.memory_space<vmem>>
        %dma_wait3A_85 = arith.constant 0 : i32
        %dma_wait3A_86 = arith.constant 0 : i32
        %dma_wait3A_87 = tpu.memref_slice %arg2[%dma_wait3A_85, %dma_wait3A_86] : memref<10240x64xbf16, #tpu.memory_space<hbm>> -> memref<10240x64xbf16, #tpu.memory_space<hbm>>
        tpu.wait_indirect_dma semaphore(%arg13 : memref<!tpu.dma_semaphore, #tpu.memory_space<semaphore_mem>>) src(%dma_wait3A_87 : memref<10240x64xbf16, #tpu.memory_space<hbm>>) dst(%dma_wait3A_81 : memref<128x64xbf16, #tpu.memory_space<vmem>>)
        %ge3A = arith.constant 2 : i32
        %ge3A_88 = arith.cmpi sge, %scan3A_74, %ge3A : i32
        %convert_element_type3A_89 = arith.extui %ge3A_88 : i1 to i32
        %cond3A_90 = arith.constant 0 : i32
        %cond3A_91 = arith.cmpi ne, %convert_element_type3A_89, %cond3A_90 : i32
        scf.if %cond3A_91 {
          %sub3A = arith.constant 2 : i32
          %sub3A_108 = arith.subi %scan3A_74, %sub3A : i32
          %rem3A_109 = arith.constant 4 : i32
          %rem3A_110 = arith.remsi %sub3A_108, %rem3A_109 : i32
          %dma_wait3A_111 = arith.constant 0 : i32
          %dma_wait3A_112 = arith.constant 0 : i32
          %dma_wait3A_113 = tpu.memref_slice %arg11[%rem3A_110, %dma_wait3A_111, %dma_wait3A_112] : memref<4x128x64xbf16, #tpu.memory_space<vmem>> -> memref<1x128x64xbf16, #tpu.memory_space<vmem>>
          %dma_wait3A_114 = tpu.memref_squeeze %dma_wait3A_113 : memref<1x128x64xbf16, #tpu.memory_space<vmem>> -> memref<128x64xbf16, #tpu.memory_space<vmem>>
          %dma_wait3A_115 = arith.constant 0 : i32
          %dma_wait3A_116 = tpu.memref_slice %arg10[%sub3A_108, %dma_wait3A_115] : memref<79x128xi32, #tpu.memory_space<vmem>> -> memref<1x128xi32, #tpu.memory_space<vmem>>
          %dma_wait3A_117 = tpu.memref_squeeze %dma_wait3A_116 : memref<1x128xi32, #tpu.memory_space<vmem>> -> memref<128xi32, #tpu.memory_space<vmem>>
          %dma_wait3A_118 = arith.constant 0 : i32
          %dma_wait3A_119 = arith.constant 0 : i32
          %dma_wait3A_120 = tpu.memref_slice %arg12[%dma_wait3A_118, %dma_wait3A_119] : memref<10240x64xbf16, #tpu.memory_space<vmem_shared>> -> memref<10240x64xbf16, #tpu.memory_space<vmem_shared>>
          tpu.wait_indirect_dma semaphore(%arg14 : memref<!tpu.dma_semaphore, #tpu.memory_space<semaphore_mem>>) src(%dma_wait3A_114 : memref<128x64xbf16, #tpu.memory_space<vmem>>) dst(%dma_wait3A_120 : memref<10240x64xbf16, #tpu.memory_space<vmem_shared>>)
        } else {
        }
        %add3A = arith.constant 2 : i32
        %add3A_92 = arith.addi %scan3A_74, %add3A : i32
        %lt3A = arith.constant 79 : i32
        %lt3A_93 = arith.cmpi slt, %add3A_92, %lt3A : i32
        %convert_element_type3A_94 = arith.extui %lt3A_93 : i1 to i32
        %cond3A_95 = arith.constant 0 : i32
        %cond3A_96 = arith.cmpi ne, %convert_element_type3A_94, %cond3A_95 : i32
        scf.if %cond3A_96 {
          %add3A_108 = arith.constant 2 : i32
          %add3A_109 = arith.addi %scan3A_74, %add3A_108 : i32
          %add3A_110 = arith.constant 2 : i32
          %add3A_111 = arith.addi %scan3A_74, %add3A_110 : i32
          %rem3A_112 = arith.constant 4 : i32
          %rem3A_113 = arith.remsi %add3A_111, %rem3A_112 : i32
          %dma_start3A_114 = arith.constant 0 : i32
          %dma_start3A_115 = arith.constant 0 : i32
          %dma_start3A_116 = tpu.memref_slice %arg11[%rem3A_113, %dma_start3A_114, %dma_start3A_115] : memref<4x128x64xbf16, #tpu.memory_space<vmem>> -> memref<1x128x64xbf16, #tpu.memory_space<vmem>>
          %dma_start3A_117 = tpu.memref_squeeze %dma_start3A_116 : memref<1x128x64xbf16, #tpu.memory_space<vmem>> -> memref<128x64xbf16, #tpu.memory_space<vmem>>
          %dma_start3A_118 = arith.constant 0 : i32
          %dma_start3A_119 = tpu.memref_slice %arg9[%add3A_109, %dma_start3A_118] : memref<79x128xi32, #tpu.memory_space<vmem>> -> memref<1x128xi32, #tpu.memory_space<vmem>>
          %dma_start3A_120 = tpu.memref_squeeze %dma_start3A_119 : memref<1x128xi32, #tpu.memory_space<vmem>> -> memref<128xi32, #tpu.memory_space<vmem>>
          %dma_start3A_121 = arith.constant 0 : i32
          %dma_start3A_122 = arith.constant 0 : i32
          %dma_start3A_123 = tpu.memref_slice %arg2[%dma_start3A_121, %dma_start3A_122] : memref<10240x64xbf16, #tpu.memory_space<hbm>> -> memref<10240x64xbf16, #tpu.memory_space<hbm>>
          tpu.enqueue_indirect_dma source(%dma_start3A_123 : memref<10240x64xbf16, #tpu.memory_space<hbm>>) target(%dma_start3A_117 : memref<128x64xbf16, #tpu.memory_space<vmem>>) offsets(%dma_start3A_120 : memref<128xi32, #tpu.memory_space<vmem>>) semaphore(%arg13 : memref<!tpu.dma_semaphore, #tpu.memory_space<semaphore_mem>>)
        } else {
        }
        %dma_start3A_97 = arith.constant 0 : i32
        %dma_start3A_98 = arith.constant 0 : i32
        %dma_start3A_99 = tpu.memref_slice %arg11[%rem3A_77, %dma_start3A_97, %dma_start3A_98] : memref<4x128x64xbf16, #tpu.memory_space<vmem>> -> memref<1x128x64xbf16, #tpu.memory_space<vmem>>
        %dma_start3A_100 = tpu.memref_squeeze %dma_start3A_99 : memref<1x128x64xbf16, #tpu.memory_space<vmem>> -> memref<128x64xbf16, #tpu.memory_space<vmem>>
        %dma_start3A_101 = arith.constant 0 : i32
        %dma_start3A_102 = tpu.memref_slice %arg10[%scan3A_74, %dma_start3A_101] : memref<79x128xi32, #tpu.memory_space<vmem>> -> memref<1x128xi32, #tpu.memory_space<vmem>>
        %dma_start3A_103 = tpu.memref_squeeze %dma_start3A_102 : memref<1x128xi32, #tpu.memory_space<vmem>> -> memref<128xi32, #tpu.memory_space<vmem>>
        %dma_start3A_104 = arith.constant 0 : i32
        %dma_start3A_105 = arith.constant 0 : i32
        %dma_start3A_106 = tpu.memref_slice %arg12[%dma_start3A_104, %dma_start3A_105] : memref<10240x64xbf16, #tpu.memory_space<vmem_shared>> -> memref<10240x64xbf16, #tpu.memory_space<vmem_shared>>
        tpu.enqueue_indirect_dma source(%dma_start3A_100 : memref<128x64xbf16, #tpu.memory_space<vmem>>) target(%dma_start3A_106 : memref<10240x64xbf16, #tpu.memory_space<vmem_shared>>) offsets(%dma_start3A_103 : memref<128xi32, #tpu.memory_space<vmem>>) semaphore(%arg14 : memref<!tpu.dma_semaphore, #tpu.memory_space<semaphore_mem>>) {add = true}
        %scan3A_107 = arith.constant 0 : i32
        scf.yield %scan3A_107 : i32
      }
      %scan3A_47 = arith.constant 79 : i32
      %rem3A = arith.constant 77 : i32
      %rem3A_48 = arith.constant 4 : i32
      %rem3A_49 = arith.remsi %rem3A, %rem3A_48 : i32
      %dma_wait3A = arith.constant 77 : i32
      %dma_wait3A_50 = arith.constant 0 : i32
      %dma_wait3A_51 = arith.constant 0 : i32
      %dma_wait3A_52 = tpu.memref_slice %arg11[%rem3A_49, %dma_wait3A_50, %dma_wait3A_51] : memref<4x128x64xbf16, #tpu.memory_space<vmem>> -> memref<1x128x64xbf16, #tpu.memory_space<vmem>>
      %dma_wait3A_53 = tpu.memref_squeeze %dma_wait3A_52 : memref<1x128x64xbf16, #tpu.memory_space<vmem>> -> memref<128x64xbf16, #tpu.memory_space<vmem>>
      %dma_wait3A_54 = arith.constant 0 : i32
      %dma_wait3A_55 = tpu.memref_slice %arg10[%dma_wait3A, %dma_wait3A_54] : memref<79x128xi32, #tpu.memory_space<vmem>> -> memref<1x128xi32, #tpu.memory_space<vmem>>
      %dma_wait3A_56 = tpu.memref_squeeze %dma_wait3A_55 : memref<1x128xi32, #tpu.memory_space<vmem>> -> memref<128xi32, #tpu.memory_space<vmem>>
      %dma_wait3A_57 = arith.constant 0 : i32
      %dma_wait3A_58 = arith.constant 0 : i32
      %dma_wait3A_59 = tpu.memref_slice %arg12[%dma_wait3A_57, %dma_wait3A_58] : memref<10240x64xbf16, #tpu.memory_space<vmem_shared>> -> memref<10240x64xbf16, #tpu.memory_space<vmem_shared>>
      tpu.wait_indirect_dma semaphore(%arg14 : memref<!tpu.dma_semaphore, #tpu.memory_space<semaphore_mem>>) src(%dma_wait3A_53 : memref<128x64xbf16, #tpu.memory_space<vmem>>) dst(%dma_wait3A_59 : memref<10240x64xbf16, #tpu.memory_space<vmem_shared>>)
      %rem3A_60 = arith.constant 78 : i32
      %rem3A_61 = arith.constant 4 : i32
      %rem3A_62 = arith.remsi %rem3A_60, %rem3A_61 : i32
      %dma_wait3A_63 = arith.constant 78 : i32
      %dma_wait3A_64 = arith.constant 0 : i32
      %dma_wait3A_65 = arith.constant 0 : i32
      %dma_wait3A_66 = tpu.memref_slice %arg11[%rem3A_62, %dma_wait3A_64, %dma_wait3A_65] : memref<4x128x64xbf16, #tpu.memory_space<vmem>> -> memref<1x128x64xbf16, #tpu.memory_space<vmem>>
      %dma_wait3A_67 = tpu.memref_squeeze %dma_wait3A_66 : memref<1x128x64xbf16, #tpu.memory_space<vmem>> -> memref<128x64xbf16, #tpu.memory_space<vmem>>
      %dma_wait3A_68 = arith.constant 0 : i32
      %dma_wait3A_69 = tpu.memref_slice %arg10[%dma_wait3A_63, %dma_wait3A_68] : memref<79x128xi32, #tpu.memory_space<vmem>> -> memref<1x128xi32, #tpu.memory_space<vmem>>
      %dma_wait3A_70 = tpu.memref_squeeze %dma_wait3A_69 : memref<1x128xi32, #tpu.memory_space<vmem>> -> memref<128xi32, #tpu.memory_space<vmem>>
      %dma_wait3A_71 = arith.constant 0 : i32
      %dma_wait3A_72 = arith.constant 0 : i32
      %dma_wait3A_73 = tpu.memref_slice %arg12[%dma_wait3A_71, %dma_wait3A_72] : memref<10240x64xbf16, #tpu.memory_space<vmem_shared>> -> memref<10240x64xbf16, #tpu.memory_space<vmem_shared>>
      tpu.wait_indirect_dma semaphore(%arg14 : memref<!tpu.dma_semaphore, #tpu.memory_space<semaphore_mem>>) src(%dma_wait3A_67 : memref<128x64xbf16, #tpu.memory_space<vmem>>) dst(%dma_wait3A_73 : memref<10240x64xbf16, #tpu.memory_space<vmem_shared>>)
    } else {
    }
    %eq3A_3 = arith.constant 1 : i32
    %eq3A_4 = arith.cmpi eq, %arg0, %eq3A_3 : i32
    %convert_element_type3A_5 = arith.extui %eq3A_4 : i1 to i32
    %cond3A_6 = arith.constant 0 : i32
    %cond3A_7 = arith.cmpi ne, %convert_element_type3A_5, %cond3A_6 : i32
    scf.if %cond3A_7 {
      %dma_start3A = arith.constant 0 : i32
      %dma_start3A_19 = arith.constant 0 : i32
      %dma_start3A_20 = arith.constant 0 : i32
      %dma_start3A_21 = arith.constant 0 : i32
      %dma_start3A_22 = tpu.memref_slice %arg11[%dma_start3A_19, %dma_start3A_20, %dma_start3A_21] : memref<4x128x64xbf16, #tpu.memory_space<vmem>> -> memref<1x128x64xbf16, #tpu.memory_space<vmem>>
      %dma_start3A_23 = tpu.memref_squeeze %dma_start3A_22 : memref<1x128x64xbf16, #tpu.memory_space<vmem>> -> memref<128x64xbf16, #tpu.memory_space<vmem>>
      %dma_start3A_24 = arith.constant 0 : i32
      %dma_start3A_25 = tpu.memref_slice %arg9[%dma_start3A, %dma_start3A_24] : memref<79x128xi32, #tpu.memory_space<vmem>> -> memref<1x128xi32, #tpu.memory_space<vmem>>
      %dma_start3A_26 = tpu.memref_squeeze %dma_start3A_25 : memref<1x128xi32, #tpu.memory_space<vmem>> -> memref<128xi32, #tpu.memory_space<vmem>>
      %dma_start3A_27 = arith.constant 0 : i32
      %dma_start3A_28 = arith.constant 0 : i32
      %dma_start3A_29 = tpu.memref_slice %arg3[%dma_start3A_27, %dma_start3A_28] : memref<10240x64xbf16, #tpu.memory_space<hbm>> -> memref<10240x64xbf16, #tpu.memory_space<hbm>>
      tpu.enqueue_indirect_dma source(%dma_start3A_29 : memref<10240x64xbf16, #tpu.memory_space<hbm>>) target(%dma_start3A_23 : memref<128x64xbf16, #tpu.memory_space<vmem>>) offsets(%dma_start3A_26 : memref<128xi32, #tpu.memory_space<vmem>>) semaphore(%arg13 : memref<!tpu.dma_semaphore, #tpu.memory_space<semaphore_mem>>)
      %dma_start3A_30 = arith.constant 1 : i32
      %dma_start3A_31 = arith.constant 1 : i32
      %dma_start3A_32 = arith.constant 0 : i32
      %dma_start3A_33 = arith.constant 0 : i32
      %dma_start3A_34 = tpu.memref_slice %arg11[%dma_start3A_31, %dma_start3A_32, %dma_start3A_33] : memref<4x128x64xbf16, #tpu.memory_space<vmem>> -> memref<1x128x64xbf16, #tpu.memory_space<vmem>>
      %dma_start3A_35 = tpu.memref_squeeze %dma_start3A_34 : memref<1x128x64xbf16, #tpu.memory_space<vmem>> -> memref<128x64xbf16, #tpu.memory_space<vmem>>
      %dma_start3A_36 = arith.constant 0 : i32
      %dma_start3A_37 = tpu.memref_slice %arg9[%dma_start3A_30, %dma_start3A_36] : memref<79x128xi32, #tpu.memory_space<vmem>> -> memref<1x128xi32, #tpu.memory_space<vmem>>
      %dma_start3A_38 = tpu.memref_squeeze %dma_start3A_37 : memref<1x128xi32, #tpu.memory_space<vmem>> -> memref<128xi32, #tpu.memory_space<vmem>>
      %dma_start3A_39 = arith.constant 0 : i32
      %dma_start3A_40 = arith.constant 0 : i32
      %dma_start3A_41 = tpu.memref_slice %arg3[%dma_start3A_39, %dma_start3A_40] : memref<10240x64xbf16, #tpu.memory_space<hbm>> -> memref<10240x64xbf16, #tpu.memory_space<hbm>>
      tpu.enqueue_indirect_dma source(%dma_start3A_41 : memref<10240x64xbf16, #tpu.memory_space<hbm>>) target(%dma_start3A_35 : memref<128x64xbf16, #tpu.memory_space<vmem>>) offsets(%dma_start3A_38 : memref<128xi32, #tpu.memory_space<vmem>>) semaphore(%arg13 : memref<!tpu.dma_semaphore, #tpu.memory_space<semaphore_mem>>)
      %scan3A = arith.constant 0 : i32
      %scan3A_42 = arith.constant 0 : i32
      %scan3A_43 = arith.constant 79 : i32
      %scan3A_44 = arith.addi %scan3A_42, %scan3A_43 : i32
      %scan3A_45 = arith.constant 1 : i32
      %scan3A_46 = scf.for %scan3A_74 = %scan3A_42 to %scan3A_44 step %scan3A_45 iter_args(%scan3A_75 = %scan3A) -> (i32)  : i32 {
        %rem3A_76 = arith.constant 4 : i32
        %rem3A_77 = arith.remsi %scan3A_74, %rem3A_76 : i32
        %dma_wait3A_78 = arith.constant 0 : i32
        %dma_wait3A_79 = arith.constant 0 : i32
        %dma_wait3A_80 = tpu.memref_slice %arg11[%rem3A_77, %dma_wait3A_78, %dma_wait3A_79] : memref<4x128x64xbf16, #tpu.memory_space<vmem>> -> memref<1x128x64xbf16, #tpu.memory_space<vmem>>
        %dma_wait3A_81 = tpu.memref_squeeze %dma_wait3A_80 : memref<1x128x64xbf16, #tpu.memory_space<vmem>> -> memref<128x64xbf16, #tpu.memory_space<vmem>>
        %dma_wait3A_82 = arith.constant 0 : i32
        %dma_wait3A_83 = tpu.memref_slice %arg9[%scan3A_74, %dma_wait3A_82] : memref<79x128xi32, #tpu.memory_space<vmem>> -> memref<1x128xi32, #tpu.memory_space<vmem>>
        %dma_wait3A_84 = tpu.memref_squeeze %dma_wait3A_83 : memref<1x128xi32, #tpu.memory_space<vmem>> -> memref<128xi32, #tpu.memory_space<vmem>>
        %dma_wait3A_85 = arith.constant 0 : i32
        %dma_wait3A_86 = arith.constant 0 : i32
        %dma_wait3A_87 = tpu.memref_slice %arg3[%dma_wait3A_85, %dma_wait3A_86] : memref<10240x64xbf16, #tpu.memory_space<hbm>> -> memref<10240x64xbf16, #tpu.memory_space<hbm>>
        tpu.wait_indirect_dma semaphore(%arg13 : memref<!tpu.dma_semaphore, #tpu.memory_space<semaphore_mem>>) src(%dma_wait3A_87 : memref<10240x64xbf16, #tpu.memory_space<hbm>>) dst(%dma_wait3A_81 : memref<128x64xbf16, #tpu.memory_space<vmem>>)
        %ge3A = arith.constant 2 : i32
        %ge3A_88 = arith.cmpi sge, %scan3A_74, %ge3A : i32
        %convert_element_type3A_89 = arith.extui %ge3A_88 : i1 to i32
        %cond3A_90 = arith.constant 0 : i32
        %cond3A_91 = arith.cmpi ne, %convert_element_type3A_89, %cond3A_90 : i32
        scf.if %cond3A_91 {
          %sub3A = arith.constant 2 : i32
          %sub3A_108 = arith.subi %scan3A_74, %sub3A : i32
          %rem3A_109 = arith.constant 4 : i32
          %rem3A_110 = arith.remsi %sub3A_108, %rem3A_109 : i32
          %dma_wait3A_111 = arith.constant 0 : i32
          %dma_wait3A_112 = arith.constant 0 : i32
          %dma_wait3A_113 = tpu.memref_slice %arg11[%rem3A_110, %dma_wait3A_111, %dma_wait3A_112] : memref<4x128x64xbf16, #tpu.memory_space<vmem>> -> memref<1x128x64xbf16, #tpu.memory_space<vmem>>
          %dma_wait3A_114 = tpu.memref_squeeze %dma_wait3A_113 : memref<1x128x64xbf16, #tpu.memory_space<vmem>> -> memref<128x64xbf16, #tpu.memory_space<vmem>>
          %dma_wait3A_115 = arith.constant 0 : i32
          %dma_wait3A_116 = tpu.memref_slice %arg10[%sub3A_108, %dma_wait3A_115] : memref<79x128xi32, #tpu.memory_space<vmem>> -> memref<1x128xi32, #tpu.memory_space<vmem>>
          %dma_wait3A_117 = tpu.memref_squeeze %dma_wait3A_116 : memref<1x128xi32, #tpu.memory_space<vmem>> -> memref<128xi32, #tpu.memory_space<vmem>>
          %dma_wait3A_118 = arith.constant 0 : i32
          %dma_wait3A_119 = arith.constant 0 : i32
          %dma_wait3A_120 = tpu.memref_slice %arg12[%dma_wait3A_118, %dma_wait3A_119] : memref<10240x64xbf16, #tpu.memory_space<vmem_shared>> -> memref<10240x64xbf16, #tpu.memory_space<vmem_shared>>
          tpu.wait_indirect_dma semaphore(%arg14 : memref<!tpu.dma_semaphore, #tpu.memory_space<semaphore_mem>>) src(%dma_wait3A_114 : memref<128x64xbf16, #tpu.memory_space<vmem>>) dst(%dma_wait3A_120 : memref<10240x64xbf16, #tpu.memory_space<vmem_shared>>)
        } else {
        }
        %add3A = arith.constant 2 : i32
        %add3A_92 = arith.addi %scan3A_74, %add3A : i32
        %lt3A = arith.constant 79 : i32
        %lt3A_93 = arith.cmpi slt, %add3A_92, %lt3A : i32
        %convert_element_type3A_94 = arith.extui %lt3A_93 : i1 to i32
        %cond3A_95 = arith.constant 0 : i32
        %cond3A_96 = arith.cmpi ne, %convert_element_type3A_94, %cond3A_95 : i32
        scf.if %cond3A_96 {
          %add3A_108 = arith.constant 2 : i32
          %add3A_109 = arith.addi %scan3A_74, %add3A_108 : i32
          %add3A_110 = arith.constant 2 : i32
          %add3A_111 = arith.addi %scan3A_74, %add3A_110 : i32
          %rem3A_112 = arith.constant 4 : i32
          %rem3A_113 = arith.remsi %add3A_111, %rem3A_112 : i32
          %dma_start3A_114 = arith.constant 0 : i32
          %dma_start3A_115 = arith.constant 0 : i32
          %dma_start3A_116 = tpu.memref_slice %arg11[%rem3A_113, %dma_start3A_114, %dma_start3A_115] : memref<4x128x64xbf16, #tpu.memory_space<vmem>> -> memref<1x128x64xbf16, #tpu.memory_space<vmem>>
          %dma_start3A_117 = tpu.memref_squeeze %dma_start3A_116 : memref<1x128x64xbf16, #tpu.memory_space<vmem>> -> memref<128x64xbf16, #tpu.memory_space<vmem>>
          %dma_start3A_118 = arith.constant 0 : i32
          %dma_start3A_119 = tpu.memref_slice %arg9[%add3A_109, %dma_start3A_118] : memref<79x128xi32, #tpu.memory_space<vmem>> -> memref<1x128xi32, #tpu.memory_space<vmem>>
          %dma_start3A_120 = tpu.memref_squeeze %dma_start3A_119 : memref<1x128xi32, #tpu.memory_space<vmem>> -> memref<128xi32, #tpu.memory_space<vmem>>
          %dma_start3A_121 = arith.constant 0 : i32
          %dma_start3A_122 = arith.constant 0 : i32
          %dma_start3A_123 = tpu.memref_slice %arg3[%dma_start3A_121, %dma_start3A_122] : memref<10240x64xbf16, #tpu.memory_space<hbm>> -> memref<10240x64xbf16, #tpu.memory_space<hbm>>
          tpu.enqueue_indirect_dma source(%dma_start3A_123 : memref<10240x64xbf16, #tpu.memory_space<hbm>>) target(%dma_start3A_117 : memref<128x64xbf16, #tpu.memory_space<vmem>>) offsets(%dma_start3A_120 : memref<128xi32, #tpu.memory_space<vmem>>) semaphore(%arg13 : memref<!tpu.dma_semaphore, #tpu.memory_space<semaphore_mem>>)
        } else {
        }
        %dma_start3A_97 = arith.constant 0 : i32
        %dma_start3A_98 = arith.constant 0 : i32
        %dma_start3A_99 = tpu.memref_slice %arg11[%rem3A_77, %dma_start3A_97, %dma_start3A_98] : memref<4x128x64xbf16, #tpu.memory_space<vmem>> -> memref<1x128x64xbf16, #tpu.memory_space<vmem>>
        %dma_start3A_100 = tpu.memref_squeeze %dma_start3A_99 : memref<1x128x64xbf16, #tpu.memory_space<vmem>> -> memref<128x64xbf16, #tpu.memory_space<vmem>>
        %dma_start3A_101 = arith.constant 0 : i32
        %dma_start3A_102 = tpu.memref_slice %arg10[%scan3A_74, %dma_start3A_101] : memref<79x128xi32, #tpu.memory_space<vmem>> -> memref<1x128xi32, #tpu.memory_space<vmem>>
        %dma_start3A_103 = tpu.memref_squeeze %dma_start3A_102 : memref<1x128xi32, #tpu.memory_space<vmem>> -> memref<128xi32, #tpu.memory_space<vmem>>
        %dma_start3A_104 = arith.constant 0 : i32
        %dma_start3A_105 = arith.constant 0 : i32
        %dma_start3A_106 = tpu.memref_slice %arg12[%dma_start3A_104, %dma_start3A_105] : memref<10240x64xbf16, #tpu.memory_space<vmem_shared>> -> memref<10240x64xbf16, #tpu.memory_space<vmem_shared>>
        tpu.enqueue_indirect_dma source(%dma_start3A_100 : memref<128x64xbf16, #tpu.memory_space<vmem>>) target(%dma_start3A_106 : memref<10240x64xbf16, #tpu.memory_space<vmem_shared>>) offsets(%dma_start3A_103 : memref<128xi32, #tpu.memory_space<vmem>>) semaphore(%arg14 : memref<!tpu.dma_semaphore, #tpu.memory_space<semaphore_mem>>) {add = true}
        %scan3A_107 = arith.constant 0 : i32
        scf.yield %scan3A_107 : i32
      }
      %scan3A_47 = arith.constant 79 : i32
      %rem3A = arith.constant 77 : i32
      %rem3A_48 = arith.constant 4 : i32
      %rem3A_49 = arith.remsi %rem3A, %rem3A_48 : i32
      %dma_wait3A = arith.constant 77 : i32
      %dma_wait3A_50 = arith.constant 0 : i32
      %dma_wait3A_51 = arith.constant 0 : i32
      %dma_wait3A_52 = tpu.memref_slice %arg11[%rem3A_49, %dma_wait3A_50, %dma_wait3A_51] : memref<4x128x64xbf16, #tpu.memory_space<vmem>> -> memref<1x128x64xbf16, #tpu.memory_space<vmem>>
      %dma_wait3A_53 = tpu.memref_squeeze %dma_wait3A_52 : memref<1x128x64xbf16, #tpu.memory_space<vmem>> -> memref<128x64xbf16, #tpu.memory_space<vmem>>
      %dma_wait3A_54 = arith.constant 0 : i32
      %dma_wait3A_55 = tpu.memref_slice %arg10[%dma_wait3A, %dma_wait3A_54] : memref<79x128xi32, #tpu.memory_space<vmem>> -> memref<1x128xi32, #tpu.memory_space<vmem>>
      %dma_wait3A_56 = tpu.memref_squeeze %dma_wait3A_55 : memref<1x128xi32, #tpu.memory_space<vmem>> -> memref<128xi32, #tpu.memory_space<vmem>>
      %dma_wait3A_57 = arith.constant 0 : i32
      %dma_wait3A_58 = arith.constant 0 : i32
      %dma_wait3A_59 = tpu.memref_slice %arg12[%dma_wait3A_57, %dma_wait3A_58] : memref<10240x64xbf16, #tpu.memory_space<vmem_shared>> -> memref<10240x64xbf16, #tpu.memory_space<vmem_shared>>
      tpu.wait_indirect_dma semaphore(%arg14 : memref<!tpu.dma_semaphore, #tpu.memory_space<semaphore_mem>>) src(%dma_wait3A_53 : memref<128x64xbf16, #tpu.memory_space<vmem>>) dst(%dma_wait3A_59 : memref<10240x64xbf16, #tpu.memory_space<vmem_shared>>)
      %rem3A_60 = arith.constant 78 : i32
      %rem3A_61 = arith.constant 4 : i32
      %rem3A_62 = arith.remsi %rem3A_60, %rem3A_61 : i32
      %dma_wait3A_63 = arith.constant 78 : i32
      %dma_wait3A_64 = arith.constant 0 : i32
      %dma_wait3A_65 = arith.constant 0 : i32
      %dma_wait3A_66 = tpu.memref_slice %arg11[%rem3A_62, %dma_wait3A_64, %dma_wait3A_65] : memref<4x128x64xbf16, #tpu.memory_space<vmem>> -> memref<1x128x64xbf16, #tpu.memory_space<vmem>>
      %dma_wait3A_67 = tpu.memref_squeeze %dma_wait3A_66 : memref<1x128x64xbf16, #tpu.memory_space<vmem>> -> memref<128x64xbf16, #tpu.memory_space<vmem>>
      %dma_wait3A_68 = arith.constant 0 : i32
      %dma_wait3A_69 = tpu.memref_slice %arg10[%dma_wait3A_63, %dma_wait3A_68] : memref<79x128xi32, #tpu.memory_space<vmem>> -> memref<1x128xi32, #tpu.memory_space<vmem>>
      %dma_wait3A_70 = tpu.memref_squeeze %dma_wait3A_69 : memref<1x128xi32, #tpu.memory_space<vmem>> -> memref<128xi32, #tpu.memory_space<vmem>>
      %dma_wait3A_71 = arith.constant 0 : i32
      %dma_wait3A_72 = arith.constant 0 : i32
      %dma_wait3A_73 = tpu.memref_slice %arg12[%dma_wait3A_71, %dma_wait3A_72] : memref<10240x64xbf16, #tpu.memory_space<vmem_shared>> -> memref<10240x64xbf16, #tpu.memory_space<vmem_shared>>
      tpu.wait_indirect_dma semaphore(%arg14 : memref<!tpu.dma_semaphore, #tpu.memory_space<semaphore_mem>>) src(%dma_wait3A_67 : memref<128x64xbf16, #tpu.memory_space<vmem>>) dst(%dma_wait3A_73 : memref<10240x64xbf16, #tpu.memory_space<vmem_shared>>)
    } else {
    }
    %barrier3A_8 = arith.constant 0 : index
    tpu.barrier barrier_id(%barrier3A_8)
    %eq3A_9 = arith.constant 0 : i32
    %eq3A_10 = arith.cmpi eq, %arg0, %eq3A_9 : i32
    %convert_element_type3A_11 = arith.extui %eq3A_10 : i1 to i32
    %cond3A_12 = arith.constant 0 : i32
    %cond3A_13 = arith.cmpi ne, %convert_element_type3A_11, %cond3A_12 : i32
    scf.if %cond3A_13 {
      "tpu.region"() ({
        %run_scoped3A = tpu.sem_alloc : memref<!tpu.dma_semaphore, #tpu.memory_space<semaphore_mem>>
        %dma_start3A = arith.constant 0 : i32
        %dma_start3A_19 = tpu.memref_slice %arg7[%mul3A_0, %dma_start3A] : memref<10240x64xbf16, #tpu.memory_space<hbm>> -> memref<640x64xbf16, #tpu.memory_space<hbm>>
        %dma_start3A_20 = arith.constant 0 : i32
        %dma_start3A_21 = tpu.memref_slice %arg12[%mul3A_0, %dma_start3A_20] : memref<10240x64xbf16, #tpu.memory_space<vmem_shared>> -> memref<640x64xbf16, #tpu.memory_space<vmem_shared>>
        tpu.enqueue_dma source(%dma_start3A_21 : memref<640x64xbf16, #tpu.memory_space<vmem_shared>>) target(%dma_start3A_19 : memref<640x64xbf16, #tpu.memory_space<hbm>>) target_semaphore(%run_scoped3A : memref<!tpu.dma_semaphore, #tpu.memory_space<semaphore_mem>>)
        %dma_wait3A = arith.constant 0 : i32
        %dma_wait3A_22 = tpu.memref_slice %arg7[%mul3A_0, %dma_wait3A] : memref<10240x64xbf16, #tpu.memory_space<hbm>> -> memref<640x64xbf16, #tpu.memory_space<hbm>>
        %dma_wait3A_23 = arith.constant 0 : i32
        %dma_wait3A_24 = tpu.memref_slice %arg12[%mul3A_0, %dma_wait3A_23] : memref<10240x64xbf16, #tpu.memory_space<vmem_shared>> -> memref<640x64xbf16, #tpu.memory_space<vmem_shared>>
        tpu.wait_dma2 semaphore(%run_scoped3A : memref<!tpu.dma_semaphore, #tpu.memory_space<semaphore_mem>>) src(%dma_wait3A_24 : memref<640x64xbf16, #tpu.memory_space<vmem_shared>>) dst(%dma_wait3A_22 : memref<640x64xbf16, #tpu.memory_space<hbm>>)
        tpu.yield
      }) : () -> ()
    } else {
    }
    %eq3A_14 = arith.constant 1 : i32
    %eq3A_15 = arith.cmpi eq, %arg0, %eq3A_14 : i32
    %convert_element_type3A_16 = arith.extui %eq3A_15 : i1 to i32
    %cond3A_17 = arith.constant 0 : i32
    %cond3A_18 = arith.cmpi ne, %convert_element_type3A_16, %cond3A_17 : i32
    scf.if %cond3A_18 {
      "tpu.region"() ({
        %run_scoped3A = tpu.sem_alloc : memref<!tpu.dma_semaphore, #tpu.memory_space<semaphore_mem>>
        %dma_start3A = arith.constant 0 : i32
        %dma_start3A_19 = tpu.memref_slice %arg8[%mul3A_0, %dma_start3A] : memref<10240x64xbf16, #tpu.memory_space<hbm>> -> memref<640x64xbf16, #tpu.memory_space<hbm>>
        %dma_start3A_20 = arith.constant 0 : i32
        %dma_start3A_21 = tpu.memref_slice %arg12[%mul3A_0, %dma_start3A_20] : memref<10240x64xbf16, #tpu.memory_space<vmem_shared>> -> memref<640x64xbf16, #tpu.memory_space<vmem_shared>>
        tpu.enqueue_dma source(%dma_start3A_21 : memref<640x64xbf16, #tpu.memory_space<vmem_shared>>) target(%dma_start3A_19 : memref<640x64xbf16, #tpu.memory_space<hbm>>) target_semaphore(%run_scoped3A : memref<!tpu.dma_semaphore, #tpu.memory_space<semaphore_mem>>)
        %dma_wait3A = arith.constant 0 : i32
        %dma_wait3A_22 = tpu.memref_slice %arg8[%mul3A_0, %dma_wait3A] : memref<10240x64xbf16, #tpu.memory_space<hbm>> -> memref<640x64xbf16, #tpu.memory_space<hbm>>
        %dma_wait3A_23 = arith.constant 0 : i32
        %dma_wait3A_24 = tpu.memref_slice %arg12[%mul3A_0, %dma_wait3A_23] : memref<10240x64xbf16, #tpu.memory_space<vmem_shared>> -> memref<640x64xbf16, #tpu.memory_space<vmem_shared>>
        tpu.wait_dma2 semaphore(%run_scoped3A : memref<!tpu.dma_semaphore, #tpu.memory_space<semaphore_mem>>) src(%dma_wait3A_24 : memref<640x64xbf16, #tpu.memory_space<vmem_shared>>) dst(%dma_wait3A_22 : memref<640x64xbf16, #tpu.memory_space<hbm>>)
        tpu.yield
      }) : () -> ()
    } else {
    }
    return
  }
}

#map = affine_map<(d0, d1) -> (0, 0)>
#map1 = affine_map<(d0, d1) -> (0, 0, 0)>
module attributes {stable_mosaic.version = 14 : i64} {
  func.func @agg(%arg0: i32, %arg1: i32, %arg2: memref<10240x128xbf16, #tpu.memory_space<hbm>>, %arg3: memref<10240x128xbf16, #tpu.memory_space<hbm>>, %arg4: memref<16x79x128xi32, #tpu.memory_space<hbm>>, %arg5: memref<16x79x128xi32, #tpu.memory_space<hbm>>, %arg6: memref<640x128xbf16, #tpu.memory_space<hbm>>, %arg7: memref<10240x128xbf16, #tpu.memory_space<hbm>>, %arg8: memref<10240x128xbf16, #tpu.memory_space<hbm>>, %arg9: memref<79x128xi32, #tpu.memory_space<vmem>>, %arg10: memref<79x128xi32, #tpu.memory_space<vmem>>, %arg11: memref<4x128x128xbf16, #tpu.memory_space<vmem>>, %arg12: memref<10240x128xbf16, #tpu.memory_space<vmem_shared>>, %arg13: memref<!tpu.dma_semaphore, #tpu.memory_space<semaphore_mem>>, %arg14: memref<!tpu.dma_semaphore, #tpu.memory_space<semaphore_mem>>) attributes {dimension_semantics = [#tpu.dimension_semantics<core_parallel>, #tpu.dimension_semantics<subcore_parallel>], iteration_bounds = array<i64: 2, 16>, scalar_prefetch = 0 : i64, scratch_operands = 6 : i64, tpu.core_type = #tpu.core_type<sc_vector_subcore>, window_params = [{transform_indices = #map}, {transform_indices = #map}, {transform_indices = #map1}, {transform_indices = #map1}, {transform_indices = #map}, {transform_indices = #map}, {transform_indices = #map}]} {
    %mul3A = arith.constant 640 : i32
    %mul3A_0 = arith.muli %arg1, %mul3A : i32
    "tpu.region"() ({
      %run_scoped3A = tpu.sem_alloc : memref<!tpu.dma_semaphore, #tpu.memory_space<semaphore_mem>>
      %dma_start3A = arith.constant 0 : i32
      %dma_start3A_19 = arith.constant 0 : i32
      %dma_start3A_20 = tpu.memref_slice %arg4[%arg1, %dma_start3A, %dma_start3A_19] : memref<16x79x128xi32, #tpu.memory_space<hbm>> -> memref<1x79x128xi32, #tpu.memory_space<hbm>>
      %dma_start3A_21 = tpu.memref_squeeze %dma_start3A_20 : memref<1x79x128xi32, #tpu.memory_space<hbm>> -> memref<79x128xi32, #tpu.memory_space<hbm>>
      %dma_start3A_22 = arith.constant 0 : i32
      %dma_start3A_23 = arith.constant 0 : i32
      %dma_start3A_24 = tpu.memref_slice %arg4[%arg1, %dma_start3A_22, %dma_start3A_23] : memref<16x79x128xi32, #tpu.memory_space<hbm>> -> memref<1x79x128xi32, #tpu.memory_space<hbm>>
      %dma_start3A_25 = tpu.memref_squeeze %dma_start3A_24 : memref<1x79x128xi32, #tpu.memory_space<hbm>> -> memref<79x128xi32, #tpu.memory_space<hbm>>
      tpu.enqueue_dma source(%dma_start3A_25 : memref<79x128xi32, #tpu.memory_space<hbm>>) target(%arg9 : memref<79x128xi32, #tpu.memory_space<vmem>>) target_semaphore(%run_scoped3A : memref<!tpu.dma_semaphore, #tpu.memory_space<semaphore_mem>>)
      %dma_wait3A = arith.constant 0 : i32
      %dma_wait3A_26 = arith.constant 0 : i32
      %dma_wait3A_27 = tpu.memref_slice %arg4[%arg1, %dma_wait3A, %dma_wait3A_26] : memref<16x79x128xi32, #tpu.memory_space<hbm>> -> memref<1x79x128xi32, #tpu.memory_space<hbm>>
      %dma_wait3A_28 = tpu.memref_squeeze %dma_wait3A_27 : memref<1x79x128xi32, #tpu.memory_space<hbm>> -> memref<79x128xi32, #tpu.memory_space<hbm>>
      %dma_wait3A_29 = arith.constant 0 : i32
      %dma_wait3A_30 = arith.constant 0 : i32
      %dma_wait3A_31 = tpu.memref_slice %arg4[%arg1, %dma_wait3A_29, %dma_wait3A_30] : memref<16x79x128xi32, #tpu.memory_space<hbm>> -> memref<1x79x128xi32, #tpu.memory_space<hbm>>
      %dma_wait3A_32 = tpu.memref_squeeze %dma_wait3A_31 : memref<1x79x128xi32, #tpu.memory_space<hbm>> -> memref<79x128xi32, #tpu.memory_space<hbm>>
      tpu.wait_dma2 semaphore(%run_scoped3A : memref<!tpu.dma_semaphore, #tpu.memory_space<semaphore_mem>>) src(%dma_wait3A_32 : memref<79x128xi32, #tpu.memory_space<hbm>>) dst(%arg9 : memref<79x128xi32, #tpu.memory_space<vmem>>)
      tpu.yield
    }) : () -> ()
    "tpu.region"() ({
      %run_scoped3A = tpu.sem_alloc : memref<!tpu.dma_semaphore, #tpu.memory_space<semaphore_mem>>
      %dma_start3A = arith.constant 0 : i32
      %dma_start3A_19 = arith.constant 0 : i32
      %dma_start3A_20 = tpu.memref_slice %arg5[%arg1, %dma_start3A, %dma_start3A_19] : memref<16x79x128xi32, #tpu.memory_space<hbm>> -> memref<1x79x128xi32, #tpu.memory_space<hbm>>
      %dma_start3A_21 = tpu.memref_squeeze %dma_start3A_20 : memref<1x79x128xi32, #tpu.memory_space<hbm>> -> memref<79x128xi32, #tpu.memory_space<hbm>>
      %dma_start3A_22 = arith.constant 0 : i32
      %dma_start3A_23 = arith.constant 0 : i32
      %dma_start3A_24 = tpu.memref_slice %arg5[%arg1, %dma_start3A_22, %dma_start3A_23] : memref<16x79x128xi32, #tpu.memory_space<hbm>> -> memref<1x79x128xi32, #tpu.memory_space<hbm>>
      %dma_start3A_25 = tpu.memref_squeeze %dma_start3A_24 : memref<1x79x128xi32, #tpu.memory_space<hbm>> -> memref<79x128xi32, #tpu.memory_space<hbm>>
      tpu.enqueue_dma source(%dma_start3A_25 : memref<79x128xi32, #tpu.memory_space<hbm>>) target(%arg10 : memref<79x128xi32, #tpu.memory_space<vmem>>) target_semaphore(%run_scoped3A : memref<!tpu.dma_semaphore, #tpu.memory_space<semaphore_mem>>)
      %dma_wait3A = arith.constant 0 : i32
      %dma_wait3A_26 = arith.constant 0 : i32
      %dma_wait3A_27 = tpu.memref_slice %arg5[%arg1, %dma_wait3A, %dma_wait3A_26] : memref<16x79x128xi32, #tpu.memory_space<hbm>> -> memref<1x79x128xi32, #tpu.memory_space<hbm>>
      %dma_wait3A_28 = tpu.memref_squeeze %dma_wait3A_27 : memref<1x79x128xi32, #tpu.memory_space<hbm>> -> memref<79x128xi32, #tpu.memory_space<hbm>>
      %dma_wait3A_29 = arith.constant 0 : i32
      %dma_wait3A_30 = arith.constant 0 : i32
      %dma_wait3A_31 = tpu.memref_slice %arg5[%arg1, %dma_wait3A_29, %dma_wait3A_30] : memref<16x79x128xi32, #tpu.memory_space<hbm>> -> memref<1x79x128xi32, #tpu.memory_space<hbm>>
      %dma_wait3A_32 = tpu.memref_squeeze %dma_wait3A_31 : memref<1x79x128xi32, #tpu.memory_space<hbm>> -> memref<79x128xi32, #tpu.memory_space<hbm>>
      tpu.wait_dma2 semaphore(%run_scoped3A : memref<!tpu.dma_semaphore, #tpu.memory_space<semaphore_mem>>) src(%dma_wait3A_32 : memref<79x128xi32, #tpu.memory_space<hbm>>) dst(%arg10 : memref<79x128xi32, #tpu.memory_space<vmem>>)
      tpu.yield
    }) : () -> ()
    "tpu.region"() ({
      %run_scoped3A = tpu.sem_alloc : memref<!tpu.dma_semaphore, #tpu.memory_space<semaphore_mem>>
      %dma_start3A = arith.constant 0 : i32
      %dma_start3A_19 = tpu.memref_slice %arg12[%mul3A_0, %dma_start3A] : memref<10240x128xbf16, #tpu.memory_space<vmem_shared>> -> memref<640x128xbf16, #tpu.memory_space<vmem_shared>>
      tpu.enqueue_dma source(%arg6 : memref<640x128xbf16, #tpu.memory_space<hbm>>) target(%dma_start3A_19 : memref<640x128xbf16, #tpu.memory_space<vmem_shared>>) target_semaphore(%run_scoped3A : memref<!tpu.dma_semaphore, #tpu.memory_space<semaphore_mem>>)
      %dma_wait3A = arith.constant 0 : i32
      %dma_wait3A_20 = tpu.memref_slice %arg12[%mul3A_0, %dma_wait3A] : memref<10240x128xbf16, #tpu.memory_space<vmem_shared>> -> memref<640x128xbf16, #tpu.memory_space<vmem_shared>>
      tpu.wait_dma2 semaphore(%run_scoped3A : memref<!tpu.dma_semaphore, #tpu.memory_space<semaphore_mem>>) src(%arg6 : memref<640x128xbf16, #tpu.memory_space<hbm>>) dst(%dma_wait3A_20 : memref<640x128xbf16, #tpu.memory_space<vmem_shared>>)
      tpu.yield
    }) : () -> ()
    %barrier3A = arith.constant 0 : index
    tpu.barrier barrier_id(%barrier3A)
    %eq3A = arith.constant 0 : i32
    %eq3A_1 = arith.cmpi eq, %arg0, %eq3A : i32
    %convert_element_type3A = arith.extui %eq3A_1 : i1 to i32
    %cond3A = arith.constant 0 : i32
    %cond3A_2 = arith.cmpi ne, %convert_element_type3A, %cond3A : i32
    scf.if %cond3A_2 {
      %dma_start3A = arith.constant 0 : i32
      %dma_start3A_19 = arith.constant 0 : i32
      %dma_start3A_20 = arith.constant 0 : i32
      %dma_start3A_21 = arith.constant 0 : i32
      %dma_start3A_22 = tpu.memref_slice %arg11[%dma_start3A_19, %dma_start3A_20, %dma_start3A_21] : memref<4x128x128xbf16, #tpu.memory_space<vmem>> -> memref<1x128x128xbf16, #tpu.memory_space<vmem>>
      %dma_start3A_23 = tpu.memref_squeeze %dma_start3A_22 : memref<1x128x128xbf16, #tpu.memory_space<vmem>> -> memref<128x128xbf16, #tpu.memory_space<vmem>>
      %dma_start3A_24 = arith.constant 0 : i32
      %dma_start3A_25 = tpu.memref_slice %arg9[%dma_start3A, %dma_start3A_24] : memref<79x128xi32, #tpu.memory_space<vmem>> -> memref<1x128xi32, #tpu.memory_space<vmem>>
      %dma_start3A_26 = tpu.memref_squeeze %dma_start3A_25 : memref<1x128xi32, #tpu.memory_space<vmem>> -> memref<128xi32, #tpu.memory_space<vmem>>
      %dma_start3A_27 = arith.constant 0 : i32
      %dma_start3A_28 = arith.constant 0 : i32
      %dma_start3A_29 = tpu.memref_slice %arg2[%dma_start3A_27, %dma_start3A_28] : memref<10240x128xbf16, #tpu.memory_space<hbm>> -> memref<10240x128xbf16, #tpu.memory_space<hbm>>
      tpu.enqueue_indirect_dma source(%dma_start3A_29 : memref<10240x128xbf16, #tpu.memory_space<hbm>>) target(%dma_start3A_23 : memref<128x128xbf16, #tpu.memory_space<vmem>>) offsets(%dma_start3A_26 : memref<128xi32, #tpu.memory_space<vmem>>) semaphore(%arg13 : memref<!tpu.dma_semaphore, #tpu.memory_space<semaphore_mem>>)
      %dma_start3A_30 = arith.constant 1 : i32
      %dma_start3A_31 = arith.constant 1 : i32
      %dma_start3A_32 = arith.constant 0 : i32
      %dma_start3A_33 = arith.constant 0 : i32
      %dma_start3A_34 = tpu.memref_slice %arg11[%dma_start3A_31, %dma_start3A_32, %dma_start3A_33] : memref<4x128x128xbf16, #tpu.memory_space<vmem>> -> memref<1x128x128xbf16, #tpu.memory_space<vmem>>
      %dma_start3A_35 = tpu.memref_squeeze %dma_start3A_34 : memref<1x128x128xbf16, #tpu.memory_space<vmem>> -> memref<128x128xbf16, #tpu.memory_space<vmem>>
      %dma_start3A_36 = arith.constant 0 : i32
      %dma_start3A_37 = tpu.memref_slice %arg9[%dma_start3A_30, %dma_start3A_36] : memref<79x128xi32, #tpu.memory_space<vmem>> -> memref<1x128xi32, #tpu.memory_space<vmem>>
      %dma_start3A_38 = tpu.memref_squeeze %dma_start3A_37 : memref<1x128xi32, #tpu.memory_space<vmem>> -> memref<128xi32, #tpu.memory_space<vmem>>
      %dma_start3A_39 = arith.constant 0 : i32
      %dma_start3A_40 = arith.constant 0 : i32
      %dma_start3A_41 = tpu.memref_slice %arg2[%dma_start3A_39, %dma_start3A_40] : memref<10240x128xbf16, #tpu.memory_space<hbm>> -> memref<10240x128xbf16, #tpu.memory_space<hbm>>
      tpu.enqueue_indirect_dma source(%dma_start3A_41 : memref<10240x128xbf16, #tpu.memory_space<hbm>>) target(%dma_start3A_35 : memref<128x128xbf16, #tpu.memory_space<vmem>>) offsets(%dma_start3A_38 : memref<128xi32, #tpu.memory_space<vmem>>) semaphore(%arg13 : memref<!tpu.dma_semaphore, #tpu.memory_space<semaphore_mem>>)
      %scan3A = arith.constant 0 : i32
      %scan3A_42 = arith.constant 0 : i32
      %scan3A_43 = arith.constant 79 : i32
      %scan3A_44 = arith.addi %scan3A_42, %scan3A_43 : i32
      %scan3A_45 = arith.constant 1 : i32
      %scan3A_46 = scf.for %scan3A_74 = %scan3A_42 to %scan3A_44 step %scan3A_45 iter_args(%scan3A_75 = %scan3A) -> (i32)  : i32 {
        %rem3A_76 = arith.constant 4 : i32
        %rem3A_77 = arith.remsi %scan3A_74, %rem3A_76 : i32
        %dma_wait3A_78 = arith.constant 0 : i32
        %dma_wait3A_79 = arith.constant 0 : i32
        %dma_wait3A_80 = tpu.memref_slice %arg11[%rem3A_77, %dma_wait3A_78, %dma_wait3A_79] : memref<4x128x128xbf16, #tpu.memory_space<vmem>> -> memref<1x128x128xbf16, #tpu.memory_space<vmem>>
        %dma_wait3A_81 = tpu.memref_squeeze %dma_wait3A_80 : memref<1x128x128xbf16, #tpu.memory_space<vmem>> -> memref<128x128xbf16, #tpu.memory_space<vmem>>
        %dma_wait3A_82 = arith.constant 0 : i32
        %dma_wait3A_83 = tpu.memref_slice %arg9[%scan3A_74, %dma_wait3A_82] : memref<79x128xi32, #tpu.memory_space<vmem>> -> memref<1x128xi32, #tpu.memory_space<vmem>>
        %dma_wait3A_84 = tpu.memref_squeeze %dma_wait3A_83 : memref<1x128xi32, #tpu.memory_space<vmem>> -> memref<128xi32, #tpu.memory_space<vmem>>
        %dma_wait3A_85 = arith.constant 0 : i32
        %dma_wait3A_86 = arith.constant 0 : i32
        %dma_wait3A_87 = tpu.memref_slice %arg2[%dma_wait3A_85, %dma_wait3A_86] : memref<10240x128xbf16, #tpu.memory_space<hbm>> -> memref<10240x128xbf16, #tpu.memory_space<hbm>>
        tpu.wait_indirect_dma semaphore(%arg13 : memref<!tpu.dma_semaphore, #tpu.memory_space<semaphore_mem>>) src(%dma_wait3A_87 : memref<10240x128xbf16, #tpu.memory_space<hbm>>) dst(%dma_wait3A_81 : memref<128x128xbf16, #tpu.memory_space<vmem>>)
        %ge3A = arith.constant 2 : i32
        %ge3A_88 = arith.cmpi sge, %scan3A_74, %ge3A : i32
        %convert_element_type3A_89 = arith.extui %ge3A_88 : i1 to i32
        %cond3A_90 = arith.constant 0 : i32
        %cond3A_91 = arith.cmpi ne, %convert_element_type3A_89, %cond3A_90 : i32
        scf.if %cond3A_91 {
          %sub3A = arith.constant 2 : i32
          %sub3A_108 = arith.subi %scan3A_74, %sub3A : i32
          %rem3A_109 = arith.constant 4 : i32
          %rem3A_110 = arith.remsi %sub3A_108, %rem3A_109 : i32
          %dma_wait3A_111 = arith.constant 0 : i32
          %dma_wait3A_112 = arith.constant 0 : i32
          %dma_wait3A_113 = tpu.memref_slice %arg11[%rem3A_110, %dma_wait3A_111, %dma_wait3A_112] : memref<4x128x128xbf16, #tpu.memory_space<vmem>> -> memref<1x128x128xbf16, #tpu.memory_space<vmem>>
          %dma_wait3A_114 = tpu.memref_squeeze %dma_wait3A_113 : memref<1x128x128xbf16, #tpu.memory_space<vmem>> -> memref<128x128xbf16, #tpu.memory_space<vmem>>
          %dma_wait3A_115 = arith.constant 0 : i32
          %dma_wait3A_116 = tpu.memref_slice %arg10[%sub3A_108, %dma_wait3A_115] : memref<79x128xi32, #tpu.memory_space<vmem>> -> memref<1x128xi32, #tpu.memory_space<vmem>>
          %dma_wait3A_117 = tpu.memref_squeeze %dma_wait3A_116 : memref<1x128xi32, #tpu.memory_space<vmem>> -> memref<128xi32, #tpu.memory_space<vmem>>
          %dma_wait3A_118 = arith.constant 0 : i32
          %dma_wait3A_119 = arith.constant 0 : i32
          %dma_wait3A_120 = tpu.memref_slice %arg12[%dma_wait3A_118, %dma_wait3A_119] : memref<10240x128xbf16, #tpu.memory_space<vmem_shared>> -> memref<10240x128xbf16, #tpu.memory_space<vmem_shared>>
          tpu.wait_indirect_dma semaphore(%arg14 : memref<!tpu.dma_semaphore, #tpu.memory_space<semaphore_mem>>) src(%dma_wait3A_114 : memref<128x128xbf16, #tpu.memory_space<vmem>>) dst(%dma_wait3A_120 : memref<10240x128xbf16, #tpu.memory_space<vmem_shared>>)
        } else {
        }
        %add3A = arith.constant 2 : i32
        %add3A_92 = arith.addi %scan3A_74, %add3A : i32
        %lt3A = arith.constant 79 : i32
        %lt3A_93 = arith.cmpi slt, %add3A_92, %lt3A : i32
        %convert_element_type3A_94 = arith.extui %lt3A_93 : i1 to i32
        %cond3A_95 = arith.constant 0 : i32
        %cond3A_96 = arith.cmpi ne, %convert_element_type3A_94, %cond3A_95 : i32
        scf.if %cond3A_96 {
          %add3A_108 = arith.constant 2 : i32
          %add3A_109 = arith.addi %scan3A_74, %add3A_108 : i32
          %add3A_110 = arith.constant 2 : i32
          %add3A_111 = arith.addi %scan3A_74, %add3A_110 : i32
          %rem3A_112 = arith.constant 4 : i32
          %rem3A_113 = arith.remsi %add3A_111, %rem3A_112 : i32
          %dma_start3A_114 = arith.constant 0 : i32
          %dma_start3A_115 = arith.constant 0 : i32
          %dma_start3A_116 = tpu.memref_slice %arg11[%rem3A_113, %dma_start3A_114, %dma_start3A_115] : memref<4x128x128xbf16, #tpu.memory_space<vmem>> -> memref<1x128x128xbf16, #tpu.memory_space<vmem>>
          %dma_start3A_117 = tpu.memref_squeeze %dma_start3A_116 : memref<1x128x128xbf16, #tpu.memory_space<vmem>> -> memref<128x128xbf16, #tpu.memory_space<vmem>>
          %dma_start3A_118 = arith.constant 0 : i32
          %dma_start3A_119 = tpu.memref_slice %arg9[%add3A_109, %dma_start3A_118] : memref<79x128xi32, #tpu.memory_space<vmem>> -> memref<1x128xi32, #tpu.memory_space<vmem>>
          %dma_start3A_120 = tpu.memref_squeeze %dma_start3A_119 : memref<1x128xi32, #tpu.memory_space<vmem>> -> memref<128xi32, #tpu.memory_space<vmem>>
          %dma_start3A_121 = arith.constant 0 : i32
          %dma_start3A_122 = arith.constant 0 : i32
          %dma_start3A_123 = tpu.memref_slice %arg2[%dma_start3A_121, %dma_start3A_122] : memref<10240x128xbf16, #tpu.memory_space<hbm>> -> memref<10240x128xbf16, #tpu.memory_space<hbm>>
          tpu.enqueue_indirect_dma source(%dma_start3A_123 : memref<10240x128xbf16, #tpu.memory_space<hbm>>) target(%dma_start3A_117 : memref<128x128xbf16, #tpu.memory_space<vmem>>) offsets(%dma_start3A_120 : memref<128xi32, #tpu.memory_space<vmem>>) semaphore(%arg13 : memref<!tpu.dma_semaphore, #tpu.memory_space<semaphore_mem>>)
        } else {
        }
        %dma_start3A_97 = arith.constant 0 : i32
        %dma_start3A_98 = arith.constant 0 : i32
        %dma_start3A_99 = tpu.memref_slice %arg11[%rem3A_77, %dma_start3A_97, %dma_start3A_98] : memref<4x128x128xbf16, #tpu.memory_space<vmem>> -> memref<1x128x128xbf16, #tpu.memory_space<vmem>>
        %dma_start3A_100 = tpu.memref_squeeze %dma_start3A_99 : memref<1x128x128xbf16, #tpu.memory_space<vmem>> -> memref<128x128xbf16, #tpu.memory_space<vmem>>
        %dma_start3A_101 = arith.constant 0 : i32
        %dma_start3A_102 = tpu.memref_slice %arg10[%scan3A_74, %dma_start3A_101] : memref<79x128xi32, #tpu.memory_space<vmem>> -> memref<1x128xi32, #tpu.memory_space<vmem>>
        %dma_start3A_103 = tpu.memref_squeeze %dma_start3A_102 : memref<1x128xi32, #tpu.memory_space<vmem>> -> memref<128xi32, #tpu.memory_space<vmem>>
        %dma_start3A_104 = arith.constant 0 : i32
        %dma_start3A_105 = arith.constant 0 : i32
        %dma_start3A_106 = tpu.memref_slice %arg12[%dma_start3A_104, %dma_start3A_105] : memref<10240x128xbf16, #tpu.memory_space<vmem_shared>> -> memref<10240x128xbf16, #tpu.memory_space<vmem_shared>>
        tpu.enqueue_indirect_dma source(%dma_start3A_100 : memref<128x128xbf16, #tpu.memory_space<vmem>>) target(%dma_start3A_106 : memref<10240x128xbf16, #tpu.memory_space<vmem_shared>>) offsets(%dma_start3A_103 : memref<128xi32, #tpu.memory_space<vmem>>) semaphore(%arg14 : memref<!tpu.dma_semaphore, #tpu.memory_space<semaphore_mem>>) {add = true}
        %scan3A_107 = arith.constant 0 : i32
        scf.yield %scan3A_107 : i32
      }
      %scan3A_47 = arith.constant 79 : i32
      %rem3A = arith.constant 77 : i32
      %rem3A_48 = arith.constant 4 : i32
      %rem3A_49 = arith.remsi %rem3A, %rem3A_48 : i32
      %dma_wait3A = arith.constant 77 : i32
      %dma_wait3A_50 = arith.constant 0 : i32
      %dma_wait3A_51 = arith.constant 0 : i32
      %dma_wait3A_52 = tpu.memref_slice %arg11[%rem3A_49, %dma_wait3A_50, %dma_wait3A_51] : memref<4x128x128xbf16, #tpu.memory_space<vmem>> -> memref<1x128x128xbf16, #tpu.memory_space<vmem>>
      %dma_wait3A_53 = tpu.memref_squeeze %dma_wait3A_52 : memref<1x128x128xbf16, #tpu.memory_space<vmem>> -> memref<128x128xbf16, #tpu.memory_space<vmem>>
      %dma_wait3A_54 = arith.constant 0 : i32
      %dma_wait3A_55 = tpu.memref_slice %arg10[%dma_wait3A, %dma_wait3A_54] : memref<79x128xi32, #tpu.memory_space<vmem>> -> memref<1x128xi32, #tpu.memory_space<vmem>>
      %dma_wait3A_56 = tpu.memref_squeeze %dma_wait3A_55 : memref<1x128xi32, #tpu.memory_space<vmem>> -> memref<128xi32, #tpu.memory_space<vmem>>
      %dma_wait3A_57 = arith.constant 0 : i32
      %dma_wait3A_58 = arith.constant 0 : i32
      %dma_wait3A_59 = tpu.memref_slice %arg12[%dma_wait3A_57, %dma_wait3A_58] : memref<10240x128xbf16, #tpu.memory_space<vmem_shared>> -> memref<10240x128xbf16, #tpu.memory_space<vmem_shared>>
      tpu.wait_indirect_dma semaphore(%arg14 : memref<!tpu.dma_semaphore, #tpu.memory_space<semaphore_mem>>) src(%dma_wait3A_53 : memref<128x128xbf16, #tpu.memory_space<vmem>>) dst(%dma_wait3A_59 : memref<10240x128xbf16, #tpu.memory_space<vmem_shared>>)
      %rem3A_60 = arith.constant 78 : i32
      %rem3A_61 = arith.constant 4 : i32
      %rem3A_62 = arith.remsi %rem3A_60, %rem3A_61 : i32
      %dma_wait3A_63 = arith.constant 78 : i32
      %dma_wait3A_64 = arith.constant 0 : i32
      %dma_wait3A_65 = arith.constant 0 : i32
      %dma_wait3A_66 = tpu.memref_slice %arg11[%rem3A_62, %dma_wait3A_64, %dma_wait3A_65] : memref<4x128x128xbf16, #tpu.memory_space<vmem>> -> memref<1x128x128xbf16, #tpu.memory_space<vmem>>
      %dma_wait3A_67 = tpu.memref_squeeze %dma_wait3A_66 : memref<1x128x128xbf16, #tpu.memory_space<vmem>> -> memref<128x128xbf16, #tpu.memory_space<vmem>>
      %dma_wait3A_68 = arith.constant 0 : i32
      %dma_wait3A_69 = tpu.memref_slice %arg10[%dma_wait3A_63, %dma_wait3A_68] : memref<79x128xi32, #tpu.memory_space<vmem>> -> memref<1x128xi32, #tpu.memory_space<vmem>>
      %dma_wait3A_70 = tpu.memref_squeeze %dma_wait3A_69 : memref<1x128xi32, #tpu.memory_space<vmem>> -> memref<128xi32, #tpu.memory_space<vmem>>
      %dma_wait3A_71 = arith.constant 0 : i32
      %dma_wait3A_72 = arith.constant 0 : i32
      %dma_wait3A_73 = tpu.memref_slice %arg12[%dma_wait3A_71, %dma_wait3A_72] : memref<10240x128xbf16, #tpu.memory_space<vmem_shared>> -> memref<10240x128xbf16, #tpu.memory_space<vmem_shared>>
      tpu.wait_indirect_dma semaphore(%arg14 : memref<!tpu.dma_semaphore, #tpu.memory_space<semaphore_mem>>) src(%dma_wait3A_67 : memref<128x128xbf16, #tpu.memory_space<vmem>>) dst(%dma_wait3A_73 : memref<10240x128xbf16, #tpu.memory_space<vmem_shared>>)
    } else {
    }
    %eq3A_3 = arith.constant 1 : i32
    %eq3A_4 = arith.cmpi eq, %arg0, %eq3A_3 : i32
    %convert_element_type3A_5 = arith.extui %eq3A_4 : i1 to i32
    %cond3A_6 = arith.constant 0 : i32
    %cond3A_7 = arith.cmpi ne, %convert_element_type3A_5, %cond3A_6 : i32
    scf.if %cond3A_7 {
      %dma_start3A = arith.constant 0 : i32
      %dma_start3A_19 = arith.constant 0 : i32
      %dma_start3A_20 = arith.constant 0 : i32
      %dma_start3A_21 = arith.constant 0 : i32
      %dma_start3A_22 = tpu.memref_slice %arg11[%dma_start3A_19, %dma_start3A_20, %dma_start3A_21] : memref<4x128x128xbf16, #tpu.memory_space<vmem>> -> memref<1x128x128xbf16, #tpu.memory_space<vmem>>
      %dma_start3A_23 = tpu.memref_squeeze %dma_start3A_22 : memref<1x128x128xbf16, #tpu.memory_space<vmem>> -> memref<128x128xbf16, #tpu.memory_space<vmem>>
      %dma_start3A_24 = arith.constant 0 : i32
      %dma_start3A_25 = tpu.memref_slice %arg9[%dma_start3A, %dma_start3A_24] : memref<79x128xi32, #tpu.memory_space<vmem>> -> memref<1x128xi32, #tpu.memory_space<vmem>>
      %dma_start3A_26 = tpu.memref_squeeze %dma_start3A_25 : memref<1x128xi32, #tpu.memory_space<vmem>> -> memref<128xi32, #tpu.memory_space<vmem>>
      %dma_start3A_27 = arith.constant 0 : i32
      %dma_start3A_28 = arith.constant 0 : i32
      %dma_start3A_29 = tpu.memref_slice %arg3[%dma_start3A_27, %dma_start3A_28] : memref<10240x128xbf16, #tpu.memory_space<hbm>> -> memref<10240x128xbf16, #tpu.memory_space<hbm>>
      tpu.enqueue_indirect_dma source(%dma_start3A_29 : memref<10240x128xbf16, #tpu.memory_space<hbm>>) target(%dma_start3A_23 : memref<128x128xbf16, #tpu.memory_space<vmem>>) offsets(%dma_start3A_26 : memref<128xi32, #tpu.memory_space<vmem>>) semaphore(%arg13 : memref<!tpu.dma_semaphore, #tpu.memory_space<semaphore_mem>>)
      %dma_start3A_30 = arith.constant 1 : i32
      %dma_start3A_31 = arith.constant 1 : i32
      %dma_start3A_32 = arith.constant 0 : i32
      %dma_start3A_33 = arith.constant 0 : i32
      %dma_start3A_34 = tpu.memref_slice %arg11[%dma_start3A_31, %dma_start3A_32, %dma_start3A_33] : memref<4x128x128xbf16, #tpu.memory_space<vmem>> -> memref<1x128x128xbf16, #tpu.memory_space<vmem>>
      %dma_start3A_35 = tpu.memref_squeeze %dma_start3A_34 : memref<1x128x128xbf16, #tpu.memory_space<vmem>> -> memref<128x128xbf16, #tpu.memory_space<vmem>>
      %dma_start3A_36 = arith.constant 0 : i32
      %dma_start3A_37 = tpu.memref_slice %arg9[%dma_start3A_30, %dma_start3A_36] : memref<79x128xi32, #tpu.memory_space<vmem>> -> memref<1x128xi32, #tpu.memory_space<vmem>>
      %dma_start3A_38 = tpu.memref_squeeze %dma_start3A_37 : memref<1x128xi32, #tpu.memory_space<vmem>> -> memref<128xi32, #tpu.memory_space<vmem>>
      %dma_start3A_39 = arith.constant 0 : i32
      %dma_start3A_40 = arith.constant 0 : i32
      %dma_start3A_41 = tpu.memref_slice %arg3[%dma_start3A_39, %dma_start3A_40] : memref<10240x128xbf16, #tpu.memory_space<hbm>> -> memref<10240x128xbf16, #tpu.memory_space<hbm>>
      tpu.enqueue_indirect_dma source(%dma_start3A_41 : memref<10240x128xbf16, #tpu.memory_space<hbm>>) target(%dma_start3A_35 : memref<128x128xbf16, #tpu.memory_space<vmem>>) offsets(%dma_start3A_38 : memref<128xi32, #tpu.memory_space<vmem>>) semaphore(%arg13 : memref<!tpu.dma_semaphore, #tpu.memory_space<semaphore_mem>>)
      %scan3A = arith.constant 0 : i32
      %scan3A_42 = arith.constant 0 : i32
      %scan3A_43 = arith.constant 79 : i32
      %scan3A_44 = arith.addi %scan3A_42, %scan3A_43 : i32
      %scan3A_45 = arith.constant 1 : i32
      %scan3A_46 = scf.for %scan3A_74 = %scan3A_42 to %scan3A_44 step %scan3A_45 iter_args(%scan3A_75 = %scan3A) -> (i32)  : i32 {
        %rem3A_76 = arith.constant 4 : i32
        %rem3A_77 = arith.remsi %scan3A_74, %rem3A_76 : i32
        %dma_wait3A_78 = arith.constant 0 : i32
        %dma_wait3A_79 = arith.constant 0 : i32
        %dma_wait3A_80 = tpu.memref_slice %arg11[%rem3A_77, %dma_wait3A_78, %dma_wait3A_79] : memref<4x128x128xbf16, #tpu.memory_space<vmem>> -> memref<1x128x128xbf16, #tpu.memory_space<vmem>>
        %dma_wait3A_81 = tpu.memref_squeeze %dma_wait3A_80 : memref<1x128x128xbf16, #tpu.memory_space<vmem>> -> memref<128x128xbf16, #tpu.memory_space<vmem>>
        %dma_wait3A_82 = arith.constant 0 : i32
        %dma_wait3A_83 = tpu.memref_slice %arg9[%scan3A_74, %dma_wait3A_82] : memref<79x128xi32, #tpu.memory_space<vmem>> -> memref<1x128xi32, #tpu.memory_space<vmem>>
        %dma_wait3A_84 = tpu.memref_squeeze %dma_wait3A_83 : memref<1x128xi32, #tpu.memory_space<vmem>> -> memref<128xi32, #tpu.memory_space<vmem>>
        %dma_wait3A_85 = arith.constant 0 : i32
        %dma_wait3A_86 = arith.constant 0 : i32
        %dma_wait3A_87 = tpu.memref_slice %arg3[%dma_wait3A_85, %dma_wait3A_86] : memref<10240x128xbf16, #tpu.memory_space<hbm>> -> memref<10240x128xbf16, #tpu.memory_space<hbm>>
        tpu.wait_indirect_dma semaphore(%arg13 : memref<!tpu.dma_semaphore, #tpu.memory_space<semaphore_mem>>) src(%dma_wait3A_87 : memref<10240x128xbf16, #tpu.memory_space<hbm>>) dst(%dma_wait3A_81 : memref<128x128xbf16, #tpu.memory_space<vmem>>)
        %ge3A = arith.constant 2 : i32
        %ge3A_88 = arith.cmpi sge, %scan3A_74, %ge3A : i32
        %convert_element_type3A_89 = arith.extui %ge3A_88 : i1 to i32
        %cond3A_90 = arith.constant 0 : i32
        %cond3A_91 = arith.cmpi ne, %convert_element_type3A_89, %cond3A_90 : i32
        scf.if %cond3A_91 {
          %sub3A = arith.constant 2 : i32
          %sub3A_108 = arith.subi %scan3A_74, %sub3A : i32
          %rem3A_109 = arith.constant 4 : i32
          %rem3A_110 = arith.remsi %sub3A_108, %rem3A_109 : i32
          %dma_wait3A_111 = arith.constant 0 : i32
          %dma_wait3A_112 = arith.constant 0 : i32
          %dma_wait3A_113 = tpu.memref_slice %arg11[%rem3A_110, %dma_wait3A_111, %dma_wait3A_112] : memref<4x128x128xbf16, #tpu.memory_space<vmem>> -> memref<1x128x128xbf16, #tpu.memory_space<vmem>>
          %dma_wait3A_114 = tpu.memref_squeeze %dma_wait3A_113 : memref<1x128x128xbf16, #tpu.memory_space<vmem>> -> memref<128x128xbf16, #tpu.memory_space<vmem>>
          %dma_wait3A_115 = arith.constant 0 : i32
          %dma_wait3A_116 = tpu.memref_slice %arg10[%sub3A_108, %dma_wait3A_115] : memref<79x128xi32, #tpu.memory_space<vmem>> -> memref<1x128xi32, #tpu.memory_space<vmem>>
          %dma_wait3A_117 = tpu.memref_squeeze %dma_wait3A_116 : memref<1x128xi32, #tpu.memory_space<vmem>> -> memref<128xi32, #tpu.memory_space<vmem>>
          %dma_wait3A_118 = arith.constant 0 : i32
          %dma_wait3A_119 = arith.constant 0 : i32
          %dma_wait3A_120 = tpu.memref_slice %arg12[%dma_wait3A_118, %dma_wait3A_119] : memref<10240x128xbf16, #tpu.memory_space<vmem_shared>> -> memref<10240x128xbf16, #tpu.memory_space<vmem_shared>>
          tpu.wait_indirect_dma semaphore(%arg14 : memref<!tpu.dma_semaphore, #tpu.memory_space<semaphore_mem>>) src(%dma_wait3A_114 : memref<128x128xbf16, #tpu.memory_space<vmem>>) dst(%dma_wait3A_120 : memref<10240x128xbf16, #tpu.memory_space<vmem_shared>>)
        } else {
        }
        %add3A = arith.constant 2 : i32
        %add3A_92 = arith.addi %scan3A_74, %add3A : i32
        %lt3A = arith.constant 79 : i32
        %lt3A_93 = arith.cmpi slt, %add3A_92, %lt3A : i32
        %convert_element_type3A_94 = arith.extui %lt3A_93 : i1 to i32
        %cond3A_95 = arith.constant 0 : i32
        %cond3A_96 = arith.cmpi ne, %convert_element_type3A_94, %cond3A_95 : i32
        scf.if %cond3A_96 {
          %add3A_108 = arith.constant 2 : i32
          %add3A_109 = arith.addi %scan3A_74, %add3A_108 : i32
          %add3A_110 = arith.constant 2 : i32
          %add3A_111 = arith.addi %scan3A_74, %add3A_110 : i32
          %rem3A_112 = arith.constant 4 : i32
          %rem3A_113 = arith.remsi %add3A_111, %rem3A_112 : i32
          %dma_start3A_114 = arith.constant 0 : i32
          %dma_start3A_115 = arith.constant 0 : i32
          %dma_start3A_116 = tpu.memref_slice %arg11[%rem3A_113, %dma_start3A_114, %dma_start3A_115] : memref<4x128x128xbf16, #tpu.memory_space<vmem>> -> memref<1x128x128xbf16, #tpu.memory_space<vmem>>
          %dma_start3A_117 = tpu.memref_squeeze %dma_start3A_116 : memref<1x128x128xbf16, #tpu.memory_space<vmem>> -> memref<128x128xbf16, #tpu.memory_space<vmem>>
          %dma_start3A_118 = arith.constant 0 : i32
          %dma_start3A_119 = tpu.memref_slice %arg9[%add3A_109, %dma_start3A_118] : memref<79x128xi32, #tpu.memory_space<vmem>> -> memref<1x128xi32, #tpu.memory_space<vmem>>
          %dma_start3A_120 = tpu.memref_squeeze %dma_start3A_119 : memref<1x128xi32, #tpu.memory_space<vmem>> -> memref<128xi32, #tpu.memory_space<vmem>>
          %dma_start3A_121 = arith.constant 0 : i32
          %dma_start3A_122 = arith.constant 0 : i32
          %dma_start3A_123 = tpu.memref_slice %arg3[%dma_start3A_121, %dma_start3A_122] : memref<10240x128xbf16, #tpu.memory_space<hbm>> -> memref<10240x128xbf16, #tpu.memory_space<hbm>>
          tpu.enqueue_indirect_dma source(%dma_start3A_123 : memref<10240x128xbf16, #tpu.memory_space<hbm>>) target(%dma_start3A_117 : memref<128x128xbf16, #tpu.memory_space<vmem>>) offsets(%dma_start3A_120 : memref<128xi32, #tpu.memory_space<vmem>>) semaphore(%arg13 : memref<!tpu.dma_semaphore, #tpu.memory_space<semaphore_mem>>)
        } else {
        }
        %dma_start3A_97 = arith.constant 0 : i32
        %dma_start3A_98 = arith.constant 0 : i32
        %dma_start3A_99 = tpu.memref_slice %arg11[%rem3A_77, %dma_start3A_97, %dma_start3A_98] : memref<4x128x128xbf16, #tpu.memory_space<vmem>> -> memref<1x128x128xbf16, #tpu.memory_space<vmem>>
        %dma_start3A_100 = tpu.memref_squeeze %dma_start3A_99 : memref<1x128x128xbf16, #tpu.memory_space<vmem>> -> memref<128x128xbf16, #tpu.memory_space<vmem>>
        %dma_start3A_101 = arith.constant 0 : i32
        %dma_start3A_102 = tpu.memref_slice %arg10[%scan3A_74, %dma_start3A_101] : memref<79x128xi32, #tpu.memory_space<vmem>> -> memref<1x128xi32, #tpu.memory_space<vmem>>
        %dma_start3A_103 = tpu.memref_squeeze %dma_start3A_102 : memref<1x128xi32, #tpu.memory_space<vmem>> -> memref<128xi32, #tpu.memory_space<vmem>>
        %dma_start3A_104 = arith.constant 0 : i32
        %dma_start3A_105 = arith.constant 0 : i32
        %dma_start3A_106 = tpu.memref_slice %arg12[%dma_start3A_104, %dma_start3A_105] : memref<10240x128xbf16, #tpu.memory_space<vmem_shared>> -> memref<10240x128xbf16, #tpu.memory_space<vmem_shared>>
        tpu.enqueue_indirect_dma source(%dma_start3A_100 : memref<128x128xbf16, #tpu.memory_space<vmem>>) target(%dma_start3A_106 : memref<10240x128xbf16, #tpu.memory_space<vmem_shared>>) offsets(%dma_start3A_103 : memref<128xi32, #tpu.memory_space<vmem>>) semaphore(%arg14 : memref<!tpu.dma_semaphore, #tpu.memory_space<semaphore_mem>>) {add = true}
        %scan3A_107 = arith.constant 0 : i32
        scf.yield %scan3A_107 : i32
      }
      %scan3A_47 = arith.constant 79 : i32
      %rem3A = arith.constant 77 : i32
      %rem3A_48 = arith.constant 4 : i32
      %rem3A_49 = arith.remsi %rem3A, %rem3A_48 : i32
      %dma_wait3A = arith.constant 77 : i32
      %dma_wait3A_50 = arith.constant 0 : i32
      %dma_wait3A_51 = arith.constant 0 : i32
      %dma_wait3A_52 = tpu.memref_slice %arg11[%rem3A_49, %dma_wait3A_50, %dma_wait3A_51] : memref<4x128x128xbf16, #tpu.memory_space<vmem>> -> memref<1x128x128xbf16, #tpu.memory_space<vmem>>
      %dma_wait3A_53 = tpu.memref_squeeze %dma_wait3A_52 : memref<1x128x128xbf16, #tpu.memory_space<vmem>> -> memref<128x128xbf16, #tpu.memory_space<vmem>>
      %dma_wait3A_54 = arith.constant 0 : i32
      %dma_wait3A_55 = tpu.memref_slice %arg10[%dma_wait3A, %dma_wait3A_54] : memref<79x128xi32, #tpu.memory_space<vmem>> -> memref<1x128xi32, #tpu.memory_space<vmem>>
      %dma_wait3A_56 = tpu.memref_squeeze %dma_wait3A_55 : memref<1x128xi32, #tpu.memory_space<vmem>> -> memref<128xi32, #tpu.memory_space<vmem>>
      %dma_wait3A_57 = arith.constant 0 : i32
      %dma_wait3A_58 = arith.constant 0 : i32
      %dma_wait3A_59 = tpu.memref_slice %arg12[%dma_wait3A_57, %dma_wait3A_58] : memref<10240x128xbf16, #tpu.memory_space<vmem_shared>> -> memref<10240x128xbf16, #tpu.memory_space<vmem_shared>>
      tpu.wait_indirect_dma semaphore(%arg14 : memref<!tpu.dma_semaphore, #tpu.memory_space<semaphore_mem>>) src(%dma_wait3A_53 : memref<128x128xbf16, #tpu.memory_space<vmem>>) dst(%dma_wait3A_59 : memref<10240x128xbf16, #tpu.memory_space<vmem_shared>>)
      %rem3A_60 = arith.constant 78 : i32
      %rem3A_61 = arith.constant 4 : i32
      %rem3A_62 = arith.remsi %rem3A_60, %rem3A_61 : i32
      %dma_wait3A_63 = arith.constant 78 : i32
      %dma_wait3A_64 = arith.constant 0 : i32
      %dma_wait3A_65 = arith.constant 0 : i32
      %dma_wait3A_66 = tpu.memref_slice %arg11[%rem3A_62, %dma_wait3A_64, %dma_wait3A_65] : memref<4x128x128xbf16, #tpu.memory_space<vmem>> -> memref<1x128x128xbf16, #tpu.memory_space<vmem>>
      %dma_wait3A_67 = tpu.memref_squeeze %dma_wait3A_66 : memref<1x128x128xbf16, #tpu.memory_space<vmem>> -> memref<128x128xbf16, #tpu.memory_space<vmem>>
      %dma_wait3A_68 = arith.constant 0 : i32
      %dma_wait3A_69 = tpu.memref_slice %arg10[%dma_wait3A_63, %dma_wait3A_68] : memref<79x128xi32, #tpu.memory_space<vmem>> -> memref<1x128xi32, #tpu.memory_space<vmem>>
      %dma_wait3A_70 = tpu.memref_squeeze %dma_wait3A_69 : memref<1x128xi32, #tpu.memory_space<vmem>> -> memref<128xi32, #tpu.memory_space<vmem>>
      %dma_wait3A_71 = arith.constant 0 : i32
      %dma_wait3A_72 = arith.constant 0 : i32
      %dma_wait3A_73 = tpu.memref_slice %arg12[%dma_wait3A_71, %dma_wait3A_72] : memref<10240x128xbf16, #tpu.memory_space<vmem_shared>> -> memref<10240x128xbf16, #tpu.memory_space<vmem_shared>>
      tpu.wait_indirect_dma semaphore(%arg14 : memref<!tpu.dma_semaphore, #tpu.memory_space<semaphore_mem>>) src(%dma_wait3A_67 : memref<128x128xbf16, #tpu.memory_space<vmem>>) dst(%dma_wait3A_73 : memref<10240x128xbf16, #tpu.memory_space<vmem_shared>>)
    } else {
    }
    %barrier3A_8 = arith.constant 0 : index
    tpu.barrier barrier_id(%barrier3A_8)
    %eq3A_9 = arith.constant 0 : i32
    %eq3A_10 = arith.cmpi eq, %arg0, %eq3A_9 : i32
    %convert_element_type3A_11 = arith.extui %eq3A_10 : i1 to i32
    %cond3A_12 = arith.constant 0 : i32
    %cond3A_13 = arith.cmpi ne, %convert_element_type3A_11, %cond3A_12 : i32
    scf.if %cond3A_13 {
      "tpu.region"() ({
        %run_scoped3A = tpu.sem_alloc : memref<!tpu.dma_semaphore, #tpu.memory_space<semaphore_mem>>
        %dma_start3A = arith.constant 0 : i32
        %dma_start3A_19 = tpu.memref_slice %arg7[%mul3A_0, %dma_start3A] : memref<10240x128xbf16, #tpu.memory_space<hbm>> -> memref<640x128xbf16, #tpu.memory_space<hbm>>
        %dma_start3A_20 = arith.constant 0 : i32
        %dma_start3A_21 = tpu.memref_slice %arg12[%mul3A_0, %dma_start3A_20] : memref<10240x128xbf16, #tpu.memory_space<vmem_shared>> -> memref<640x128xbf16, #tpu.memory_space<vmem_shared>>
        tpu.enqueue_dma source(%dma_start3A_21 : memref<640x128xbf16, #tpu.memory_space<vmem_shared>>) target(%dma_start3A_19 : memref<640x128xbf16, #tpu.memory_space<hbm>>) target_semaphore(%run_scoped3A : memref<!tpu.dma_semaphore, #tpu.memory_space<semaphore_mem>>)
        %dma_wait3A = arith.constant 0 : i32
        %dma_wait3A_22 = tpu.memref_slice %arg7[%mul3A_0, %dma_wait3A] : memref<10240x128xbf16, #tpu.memory_space<hbm>> -> memref<640x128xbf16, #tpu.memory_space<hbm>>
        %dma_wait3A_23 = arith.constant 0 : i32
        %dma_wait3A_24 = tpu.memref_slice %arg12[%mul3A_0, %dma_wait3A_23] : memref<10240x128xbf16, #tpu.memory_space<vmem_shared>> -> memref<640x128xbf16, #tpu.memory_space<vmem_shared>>
        tpu.wait_dma2 semaphore(%run_scoped3A : memref<!tpu.dma_semaphore, #tpu.memory_space<semaphore_mem>>) src(%dma_wait3A_24 : memref<640x128xbf16, #tpu.memory_space<vmem_shared>>) dst(%dma_wait3A_22 : memref<640x128xbf16, #tpu.memory_space<hbm>>)
        tpu.yield
      }) : () -> ()
    } else {
    }
    %eq3A_14 = arith.constant 1 : i32
    %eq3A_15 = arith.cmpi eq, %arg0, %eq3A_14 : i32
    %convert_element_type3A_16 = arith.extui %eq3A_15 : i1 to i32
    %cond3A_17 = arith.constant 0 : i32
    %cond3A_18 = arith.cmpi ne, %convert_element_type3A_16, %cond3A_17 : i32
    scf.if %cond3A_18 {
      "tpu.region"() ({
        %run_scoped3A = tpu.sem_alloc : memref<!tpu.dma_semaphore, #tpu.memory_space<semaphore_mem>>
        %dma_start3A = arith.constant 0 : i32
        %dma_start3A_19 = tpu.memref_slice %arg8[%mul3A_0, %dma_start3A] : memref<10240x128xbf16, #tpu.memory_space<hbm>> -> memref<640x128xbf16, #tpu.memory_space<hbm>>
        %dma_start3A_20 = arith.constant 0 : i32
        %dma_start3A_21 = tpu.memref_slice %arg12[%mul3A_0, %dma_start3A_20] : memref<10240x128xbf16, #tpu.memory_space<vmem_shared>> -> memref<640x128xbf16, #tpu.memory_space<vmem_shared>>
        tpu.enqueue_dma source(%dma_start3A_21 : memref<640x128xbf16, #tpu.memory_space<vmem_shared>>) target(%dma_start3A_19 : memref<640x128xbf16, #tpu.memory_space<hbm>>) target_semaphore(%run_scoped3A : memref<!tpu.dma_semaphore, #tpu.memory_space<semaphore_mem>>)
        %dma_wait3A = arith.constant 0 : i32
        %dma_wait3A_22 = tpu.memref_slice %arg8[%mul3A_0, %dma_wait3A] : memref<10240x128xbf16, #tpu.memory_space<hbm>> -> memref<640x128xbf16, #tpu.memory_space<hbm>>
        %dma_wait3A_23 = arith.constant 0 : i32
        %dma_wait3A_24 = tpu.memref_slice %arg12[%mul3A_0, %dma_wait3A_23] : memref<10240x128xbf16, #tpu.memory_space<vmem_shared>> -> memref<640x128xbf16, #tpu.memory_space<vmem_shared>>
        tpu.wait_dma2 semaphore(%run_scoped3A : memref<!tpu.dma_semaphore, #tpu.memory_space<semaphore_mem>>) src(%dma_wait3A_24 : memref<640x128xbf16, #tpu.memory_space<vmem_shared>>) dst(%dma_wait3A_22 : memref<640x128xbf16, #tpu.memory_space<hbm>>)
        tpu.yield
      }) : () -> ()
    } else {
    }
    return
  }
}

module attributes {stable_mosaic.version = 14 : i64} {
  func.func @_prep_body(%arg0: i32, %arg1: memref<512x256xf32, #tpu.memory_space<vmem>>, %arg2: memref<256x256xf32, #tpu.memory_space<vmem>>, %arg3: memref<32x512xf32, #tpu.memory_space<vmem>>, %arg4: memref<32x512xf32, #tpu.memory_space<vmem>>, %arg5: memref<512x128xbf16, #tpu.memory_space<vmem>>, %arg6: memref<512x128xbf16, #tpu.memory_space<vmem>>, %arg7: memref<512x1xf32, #tpu.memory_space<vmem>>, %arg8: memref<512x1xf32, #tpu.memory_space<vmem>>) attributes {dimension_semantics = [#tpu.dimension_semantics<arbitrary>], iteration_bounds = array<i64: 20>, scalar_prefetch = 0 : i64, scratch_operands = 0 : i64, tpu.core_type = #tpu.core_type<tc>, window_params = [{transform_indices = @transform_0, window_bounds = array<i64: 512, 256>}, {pipeline_mode = #tpu.pipeline_mode<synchronous>, transform_indices = @transform_1, window_bounds = array<i64: 256, 256>}, {transform_indices = @transform_2, window_bounds = array<i64: 32, 512>}, {transform_indices = @transform_3, window_bounds = array<i64: 32, 512>}, {transform_indices = @transform_4, window_bounds = array<i64: 512, 128>}, {transform_indices = @transform_5, window_bounds = array<i64: 512, 128>}, {transform_indices = @transform_6, window_bounds = array<i64: 512, 1>}, {transform_indices = @transform_7, window_bounds = array<i64: 512, 1>}]} {
    %get3A = arith.constant 0 : index
    %get3A_0 = arith.constant 0 : index
    %get3A_1 = vector.load %arg3[%get3A, %get3A_0] : memref<32x512xf32, #tpu.memory_space<vmem>>, vector<32x512xf32>
    %get3A_2 = arith.constant 0 : index
    %get3A_3 = arith.constant 0 : index
    %get3A_4 = vector.load %arg4[%get3A_2, %get3A_3] : memref<32x512xf32, #tpu.memory_space<vmem>>, vector<32x512xf32>
    %reduce_sum3A = arith.constant dense<0.000000e+00> : vector<512xf32>
    %reduce_sum3A_5 = vector.multi_reduction <add>, %get3A_1, %reduce_sum3A [0] : vector<32x512xf32> to vector<512xf32>
    %reduce_sum3A_6 = arith.constant dense<0.000000e+00> : vector<512xf32>
    %reduce_sum3A_7 = vector.multi_reduction <add>, %get3A_4, %reduce_sum3A_6 [0] : vector<32x512xf32> to vector<512xf32>
    %max3A = arith.constant 1.000000e+00 : f32
    %max3A_8 = vector.broadcast %max3A : f32 to vector<512xf32>
    %max3A_9 = arith.maximumf %reduce_sum3A_5, %max3A_8 : vector<512xf32>
    %rsqrt3A = math.rsqrt %max3A_9 : vector<512xf32>
    %max3A_10 = arith.constant 1.000000e+00 : f32
    %max3A_11 = vector.broadcast %max3A_10 : f32 to vector<512xf32>
    %max3A_12 = arith.maximumf %reduce_sum3A_7, %max3A_11 : vector<512xf32>
    %rsqrt3A_13 = math.rsqrt %max3A_12 : vector<512xf32>
    %broadcast_in_dim3A = vector.shape_cast %rsqrt3A_13 : vector<512xf32> to vector<512x1xf32>
    %swap3A = arith.constant 0 : index
    %swap3A_14 = arith.constant 0 : index
    %swap3A_15 = vector.load %arg7[%swap3A, %swap3A_14] : memref<512x1xf32, #tpu.memory_space<vmem>>, vector<512x1xf32>
    tpu.vector_store %arg7[%swap3A, %swap3A_14], %broadcast_in_dim3A {strides = array<i32>} : memref<512x1xf32, #tpu.memory_space<vmem>>, vector<512x1xf32>,
    %broadcast_in_dim3A_16 = vector.shape_cast %rsqrt3A : vector<512xf32> to vector<512x1xf32>
    %swap3A_17 = arith.constant 0 : index
    %swap3A_18 = arith.constant 0 : index
    %swap3A_19 = vector.load %arg8[%swap3A_17, %swap3A_18] : memref<512x1xf32, #tpu.memory_space<vmem>>, vector<512x1xf32>
    tpu.vector_store %arg8[%swap3A_17, %swap3A_18], %broadcast_in_dim3A_16 {strides = array<i32>} : memref<512x1xf32, #tpu.memory_space<vmem>>, vector<512x1xf32>,
    %get3A_20 = arith.constant 0 : index
    %get3A_21 = arith.constant 0 : index
    %get3A_22 = vector.load %arg1[%get3A_20, %get3A_21] : memref<512x256xf32, #tpu.memory_space<vmem>>, vector<512x256xf32>
    %broadcast_in_dim3A_23 = vector.shape_cast %rsqrt3A : vector<512xf32> to vector<512x1xf32>
    %mul3A = vector.broadcast %broadcast_in_dim3A_23 : vector<512x1xf32> to vector<512x256xf32>
    %mul3A_24 = arith.mulf %get3A_22, %mul3A : vector<512x256xf32>
    %convert_element_type3A = arith.truncf %mul3A_24 : vector<512x256xf32> to vector<512x256xbf16>
    %get3A_25 = arith.constant 0 : index
    %get3A_26 = arith.constant 0 : index
    %get3A_27 = vector.load %arg2[%get3A_25, %get3A_26] : memref<256x256xf32, #tpu.memory_space<vmem>>, vector<256x256xf32>
    %convert_element_type3A_28 = arith.truncf %get3A_27 : vector<256x256xf32> to vector<256x256xbf16>
    %dot_general3A = arith.constant dense<0.000000e+00> : vector<512x256xf32>
    %dot_general3A_29 = tpu.matmul %convert_element_type3A, %convert_element_type3A_28, %dot_general3A {dimension_numbers = #tpu.dot_dimension_numbers<[1], [0], [0], [1], [0, 0, 1, 1], [], []>, transpose_lhs_hint = false} : vector<512x256xbf16>, vector<256x256xbf16>, vector<512x256xf32> -> vector<512x256xf32>
    %convert_element_type3A_30 = arith.truncf %dot_general3A_29 : vector<512x256xf32> to vector<512x256xbf16>
    %slice3A = vector.extract_strided_slice %convert_element_type3A_30 {offsets = [0, 0], sizes = [512, 128], strides = [1, 1]} : vector<512x256xbf16> to vector<512x128xbf16>
    %swap3A_31 = arith.constant 0 : index
    %swap3A_32 = arith.constant 0 : index
    %swap3A_33 = vector.load %arg5[%swap3A_31, %swap3A_32] : memref<512x128xbf16, #tpu.memory_space<vmem>>, vector<512x128xbf16>
    tpu.vector_store %arg5[%swap3A_31, %swap3A_32], %slice3A {strides = array<i32>} : memref<512x128xbf16, #tpu.memory_space<vmem>>, vector<512x128xbf16>,
    %slice3A_34 = vector.extract_strided_slice %convert_element_type3A_30 {offsets = [0, 128], sizes = [512, 128], strides = [1, 1]} : vector<512x256xbf16> to vector<512x128xbf16>
    %swap3A_35 = arith.constant 0 : index
    %swap3A_36 = arith.constant 0 : index
    %swap3A_37 = vector.load %arg6[%swap3A_35, %swap3A_36] : memref<512x128xbf16, #tpu.memory_space<vmem>>, vector<512x128xbf16>
    tpu.vector_store %arg6[%swap3A_35, %swap3A_36], %slice3A_34 {strides = array<i32>} : memref<512x128xbf16, #tpu.memory_space<vmem>>, vector<512x128xbf16>,
    return
  }
  func.func @transform_0(%arg0: i32) -> (i32, i32) {
    %c0_i32 = arith.constant 0 : i32
    %c0_i32_0 = arith.constant 0 : i32
    return %arg0, %c0_i32 : i32, i32
  }
  func.func @transform_1(%arg0: i32) -> (i32, i32) {
    %c0_i32 = arith.constant 0 : i32
    %c0_i32_0 = arith.constant 0 : i32
    %c0_i32_1 = arith.constant 0 : i32
    return %c0_i32, %c0_i32_0 : i32, i32
  }
  func.func @transform_2(%arg0: i32) -> (i32, i32) {
    %c0_i32 = arith.constant 0 : i32
    %c0_i32_0 = arith.constant 0 : i32
    return %c0_i32, %arg0 : i32, i32
  }
  func.func @transform_3(%arg0: i32) -> (i32, i32) {
    %c0_i32 = arith.constant 0 : i32
    %c0_i32_0 = arith.constant 0 : i32
    return %c0_i32, %arg0 : i32, i32
  }
  func.func @transform_4(%arg0: i32) -> (i32, i32) {
    %c0_i32 = arith.constant 0 : i32
    %c0_i32_0 = arith.constant 0 : i32
    return %arg0, %c0_i32 : i32, i32
  }
  func.func @transform_5(%arg0: i32) -> (i32, i32) {
    %c0_i32 = arith.constant 0 : i32
    %c0_i32_0 = arith.constant 0 : i32
    return %arg0, %c0_i32 : i32, i32
  }
  func.func @transform_6(%arg0: i32) -> (i32, i32) {
    %c0_i32 = arith.constant 0 : i32
    %c0_i32_0 = arith.constant 0 : i32
    return %arg0, %c0_i32 : i32, i32
  }
  func.func @transform_7(%arg0: i32) -> (i32, i32) {
    %c0_i32 = arith.constant 0 : i32
    %c0_i32_0 = arith.constant 0 : i32
    return %arg0, %c0_i32 : i32, i32
  }
}

module attributes {stable_mosaic.version = 14 : i64} {
  func.func @_mid_body(%arg0: i32, %arg1: memref<512x128xbf16, #tpu.memory_space<vmem>>, %arg2: memref<512x128xbf16, #tpu.memory_space<vmem>>, %arg3: memref<512x1xf32, #tpu.memory_space<vmem>>, %arg4: memref<512x1xf32, #tpu.memory_space<vmem>>, %arg5: memref<1x256xf32, #tpu.memory_space<vmem>>, %arg6: memref<256x128xf32, #tpu.memory_space<vmem>>, %arg7: memref<512x64xbf16, #tpu.memory_space<vmem>>, %arg8: memref<512x64xbf16, #tpu.memory_space<vmem>>) attributes {dimension_semantics = [#tpu.dimension_semantics<arbitrary>], iteration_bounds = array<i64: 20>, scalar_prefetch = 0 : i64, scratch_operands = 0 : i64, tpu.core_type = #tpu.core_type<tc>, window_params = [{transform_indices = @transform_0, window_bounds = array<i64: 512, 128>}, {transform_indices = @transform_1, window_bounds = array<i64: 512, 128>}, {transform_indices = @transform_2, window_bounds = array<i64: 512, 1>}, {transform_indices = @transform_3, window_bounds = array<i64: 512, 1>}, {pipeline_mode = #tpu.pipeline_mode<synchronous>, transform_indices = @transform_4, window_bounds = array<i64: 1, 256>}, {pipeline_mode = #tpu.pipeline_mode<synchronous>, transform_indices = @transform_5, window_bounds = array<i64: 256, 128>}, {transform_indices = @transform_6, window_bounds = array<i64: 512, 64>}, {transform_indices = @transform_7, window_bounds = array<i64: 512, 64>}]} {
    %get3A = arith.constant 0 : index
    %get3A_0 = arith.constant 0 : index
    %get3A_1 = vector.load %arg1[%get3A, %get3A_0] : memref<512x128xbf16, #tpu.memory_space<vmem>>, vector<512x128xbf16>
    %convert_element_type3A = arith.extf %get3A_1 : vector<512x128xbf16> to vector<512x128xf32>
    %get3A_2 = arith.constant 0 : index
    %get3A_3 = arith.constant 0 : index
    %get3A_4 = vector.load %arg2[%get3A_2, %get3A_3] : memref<512x128xbf16, #tpu.memory_space<vmem>>, vector<512x128xbf16>
    %convert_element_type3A_5 = arith.extf %get3A_4 : vector<512x128xbf16> to vector<512x128xf32>
    %concatenate3A = tpu.concatenate %convert_element_type3A, %convert_element_type3A_5 in 1 : vector<512x128xf32>, vector<512x128xf32> -> vector<512x256xf32>
    %get3A_6 = arith.constant 0 : index
    %get3A_7 = arith.constant 0 : index
    %get3A_8 = vector.load %arg3[%get3A_6, %get3A_7] : memref<512x1xf32, #tpu.memory_space<vmem>>, vector<512x1xf32>
    %mul3A = vector.broadcast %get3A_8 : vector<512x1xf32> to vector<512x256xf32>
    %mul3A_9 = arith.mulf %concatenate3A, %mul3A : vector<512x256xf32>
    %get3A_10 = arith.constant 0 : index
    %get3A_11 = arith.constant 0 : index
    %get3A_12 = vector.load %arg5[%get3A_10, %get3A_11] : memref<1x256xf32, #tpu.memory_space<vmem>>, vector<1x256xf32>
    %add3A = vector.broadcast %get3A_12 : vector<1x256xf32> to vector<512x256xf32>
    %add3A_13 = arith.addf %mul3A_9, %add3A : vector<512x256xf32>
    %max3A = arith.constant 0.000000e+00 : f32
    %max3A_14 = vector.broadcast %max3A : f32 to vector<512x256xf32>
    %max3A_15 = arith.maximumf %add3A_13, %max3A_14 : vector<512x256xf32>
    %get3A_16 = arith.constant 0 : index
    %get3A_17 = arith.constant 0 : index
    %get3A_18 = vector.load %arg4[%get3A_16, %get3A_17] : memref<512x1xf32, #tpu.memory_space<vmem>>, vector<512x1xf32>
    %mul3A_19 = vector.broadcast %get3A_18 : vector<512x1xf32> to vector<512x256xf32>
    %mul3A_20 = arith.mulf %max3A_15, %mul3A_19 : vector<512x256xf32>
    %convert_element_type3A_21 = arith.truncf %mul3A_20 : vector<512x256xf32> to vector<512x256xbf16>
    %get3A_22 = arith.constant 0 : index
    %get3A_23 = arith.constant 0 : index
    %get3A_24 = vector.load %arg6[%get3A_22, %get3A_23] : memref<256x128xf32, #tpu.memory_space<vmem>>, vector<256x128xf32>
    %convert_element_type3A_25 = arith.truncf %get3A_24 : vector<256x128xf32> to vector<256x128xbf16>
    %dot_general3A = arith.constant dense<0.000000e+00> : vector<512x128xf32>
    %dot_general3A_26 = tpu.matmul %convert_element_type3A_21, %convert_element_type3A_25, %dot_general3A {dimension_numbers = #tpu.dot_dimension_numbers<[1], [0], [0], [1], [0, 0, 1, 1], [], []>, transpose_lhs_hint = false} : vector<512x256xbf16>, vector<256x128xbf16>, vector<512x128xf32> -> vector<512x128xf32>
    %convert_element_type3A_27 = arith.truncf %dot_general3A_26 : vector<512x128xf32> to vector<512x128xbf16>
    %slice3A = vector.extract_strided_slice %convert_element_type3A_27 {offsets = [0, 0], sizes = [512, 64], strides = [1, 1]} : vector<512x128xbf16> to vector<512x64xbf16>
    %swap3A = arith.constant 0 : index
    %swap3A_28 = arith.constant 0 : index
    %swap3A_29 = vector.load %arg7[%swap3A, %swap3A_28] : memref<512x64xbf16, #tpu.memory_space<vmem>>, vector<512x64xbf16>
    tpu.vector_store %arg7[%swap3A, %swap3A_28], %slice3A {strides = array<i32>} : memref<512x64xbf16, #tpu.memory_space<vmem>>, vector<512x64xbf16>,
    %slice3A_30 = vector.extract_strided_slice %convert_element_type3A_27 {offsets = [0, 64], sizes = [512, 64], strides = [1, 1]} : vector<512x128xbf16> to vector<512x64xbf16>
    %swap3A_31 = arith.constant 0 : index
    %swap3A_32 = arith.constant 0 : index
    %swap3A_33 = vector.load %arg8[%swap3A_31, %swap3A_32] : memref<512x64xbf16, #tpu.memory_space<vmem>>, vector<512x64xbf16>
    tpu.vector_store %arg8[%swap3A_31, %swap3A_32], %slice3A_30 {strides = array<i32>} : memref<512x64xbf16, #tpu.memory_space<vmem>>, vector<512x64xbf16>,
    return
  }
  func.func @transform_0(%arg0: i32) -> (i32, i32) {
    %c0_i32 = arith.constant 0 : i32
    %c0_i32_0 = arith.constant 0 : i32
    return %arg0, %c0_i32 : i32, i32
  }
  func.func @transform_1(%arg0: i32) -> (i32, i32) {
    %c0_i32 = arith.constant 0 : i32
    %c0_i32_0 = arith.constant 0 : i32
    return %arg0, %c0_i32 : i32, i32
  }
  func.func @transform_2(%arg0: i32) -> (i32, i32) {
    %c0_i32 = arith.constant 0 : i32
    %c0_i32_0 = arith.constant 0 : i32
    return %arg0, %c0_i32 : i32, i32
  }
  func.func @transform_3(%arg0: i32) -> (i32, i32) {
    %c0_i32 = arith.constant 0 : i32
    %c0_i32_0 = arith.constant 0 : i32
    return %arg0, %c0_i32 : i32, i32
  }
  func.func @transform_4(%arg0: i32) -> (i32, i32) {
    %c0_i32 = arith.constant 0 : i32
    %c0_i32_0 = arith.constant 0 : i32
    %c0_i32_1 = arith.constant 0 : i32
    return %c0_i32, %c0_i32_0 : i32, i32
  }
  func.func @transform_5(%arg0: i32) -> (i32, i32) {
    %c0_i32 = arith.constant 0 : i32
    %c0_i32_0 = arith.constant 0 : i32
    %c0_i32_1 = arith.constant 0 : i32
    return %c0_i32, %c0_i32_0 : i32, i32
  }
  func.func @transform_6(%arg0: i32) -> (i32, i32) {
    %c0_i32 = arith.constant 0 : i32
    %c0_i32_0 = arith.constant 0 : i32
    return %arg0, %c0_i32 : i32, i32
  }
  func.func @transform_7(%arg0: i32) -> (i32, i32) {
    %c0_i32 = arith.constant 0 : i32
    %c0_i32_0 = arith.constant 0 : i32
    return %arg0, %c0_i32 : i32, i32
  }
}

module attributes {stable_mosaic.version = 14 : i64} {
  func.func @_final_body(%arg0: i32, %arg1: memref<1000x64xbf16, #tpu.memory_space<vmem>>, %arg2: memref<1000x64xbf16, #tpu.memory_space<vmem>>, %arg3: memref<1000x1xf32, #tpu.memory_space<vmem>>, %arg4: memref<1x128xf32, #tpu.memory_space<vmem>>, %arg5: memref<1000x128xf32, #tpu.memory_space<vmem>>) attributes {dimension_semantics = [#tpu.dimension_semantics<arbitrary>], iteration_bounds = array<i64: 10>, scalar_prefetch = 0 : i64, scratch_operands = 0 : i64, tpu.core_type = #tpu.core_type<tc>, window_params = [{transform_indices = @transform_0, window_bounds = array<i64: 1000, 64>}, {transform_indices = @transform_1, window_bounds = array<i64: 1000, 64>}, {transform_indices = @transform_2, window_bounds = array<i64: 1000, 1>}, {pipeline_mode = #tpu.pipeline_mode<synchronous>, transform_indices = @transform_3, window_bounds = array<i64: 1, 128>}, {transform_indices = @transform_4, window_bounds = array<i64: 1000, 128>}]} {
    %get3A = arith.constant 0 : index
    %get3A_0 = arith.constant 0 : index
    %get3A_1 = vector.load %arg1[%get3A, %get3A_0] : memref<1000x64xbf16, #tpu.memory_space<vmem>>, vector<1000x64xbf16>
    %convert_element_type3A = arith.extf %get3A_1 : vector<1000x64xbf16> to vector<1000x64xf32>
    %get3A_2 = arith.constant 0 : index
    %get3A_3 = arith.constant 0 : index
    %get3A_4 = vector.load %arg2[%get3A_2, %get3A_3] : memref<1000x64xbf16, #tpu.memory_space<vmem>>, vector<1000x64xbf16>
    %convert_element_type3A_5 = arith.extf %get3A_4 : vector<1000x64xbf16> to vector<1000x64xf32>
    %concatenate3A = tpu.concatenate %convert_element_type3A, %convert_element_type3A_5 in 1 : vector<1000x64xf32>, vector<1000x64xf32> -> vector<1000x128xf32>
    %get3A_6 = arith.constant 0 : index
    %get3A_7 = arith.constant 0 : index
    %get3A_8 = vector.load %arg3[%get3A_6, %get3A_7] : memref<1000x1xf32, #tpu.memory_space<vmem>>, vector<1000x1xf32>
    %mul3A = vector.broadcast %get3A_8 : vector<1000x1xf32> to vector<1000x128xf32>
    %mul3A_9 = arith.mulf %concatenate3A, %mul3A : vector<1000x128xf32>
    %get3A_10 = arith.constant 0 : index
    %get3A_11 = arith.constant 0 : index
    %get3A_12 = vector.load %arg4[%get3A_10, %get3A_11] : memref<1x128xf32, #tpu.memory_space<vmem>>, vector<1x128xf32>
    %add3A = vector.broadcast %get3A_12 : vector<1x128xf32> to vector<1000x128xf32>
    %add3A_13 = arith.addf %mul3A_9, %add3A : vector<1000x128xf32>
    %swap3A = arith.constant 0 : index
    %swap3A_14 = arith.constant 0 : index
    %swap3A_15 = vector.load %arg5[%swap3A, %swap3A_14] : memref<1000x128xf32, #tpu.memory_space<vmem>>, vector<1000x128xf32>
    tpu.vector_store %arg5[%swap3A, %swap3A_14], %add3A_13 {strides = array<i32>} : memref<1000x128xf32, #tpu.memory_space<vmem>>, vector<1000x128xf32>,
    return
  }
  func.func @transform_0(%arg0: i32) -> (i32, i32) {
    %c0_i32 = arith.constant 0 : i32
    %c0_i32_0 = arith.constant 0 : i32
    return %arg0, %c0_i32 : i32, i32
  }
  func.func @transform_1(%arg0: i32) -> (i32, i32) {
    %c0_i32 = arith.constant 0 : i32
    %c0_i32_0 = arith.constant 0 : i32
    return %arg0, %c0_i32 : i32, i32
  }
  func.func @transform_2(%arg0: i32) -> (i32, i32) {
    %c0_i32 = arith.constant 0 : i32
    %c0_i32_0 = arith.constant 0 : i32
    return %arg0, %c0_i32 : i32, i32
  }
  func.func @transform_3(%arg0: i32) -> (i32, i32) {
    %c0_i32 = arith.constant 0 : i32
    %c0_i32_0 = arith.constant 0 : i32
    %c0_i32_1 = arith.constant 0 : i32
    return %c0_i32, %c0_i32_0 : i32, i32
  }
  func.func @transform_4(%arg0: i32) -> (i32, i32) {
    %c0_i32 = arith.constant 0 : i32
    %c0_i32_0 = arith.constant 0 : i32
    return %arg0, %c0_i32 : i32, i32
  }
}

</mosaic_0001>

<sc_bundles>
// kernel: kernel.11.cloned.1.call-start
scs
__scs_entry_jumppad:
0x0: {  	(pc) =	sbr.rel $0x88, $3  }
0x1: {  	(tag) =	ssettag $0x0;
	lr =	simm.s32 $0x1  }
0x2: {  	[smem:$0x3F9B] =	sst lr;
	_ =	strace $0xD0000000  }
0x3: {  	_ = 	snop  }
0x4: {  	_ = 	snop  }
0x5: {  	_ = 	snop  }
0x6: {  	_ = 	snop  }
0x7: {  	_ = 	snop  }
__scs_overlays_trampoline_lowered:
0x8: {  	[smem:$0x3FAA] =	sst s0  }
0x9: {  	[smem:$0x3FAB] =	sst s1  }
0xa: {  	[smem:$0x3FAC] =	sst s2  }
0xb: {  	[smem:$0x3FAD] =	sst s3  }
0xc: {  	[smem:$0x3FAE] =	sst s4  }
0xd: {  	[smem:$0x3FAF] =	sst s5  }
0xe: {  	[smem:$0x3FB0] =	sst s6  }
0xf: {  	[smem:$0x3FB1] =	sst s7  }
0x10: {  	[smem:$0x3FB2] =	sst s8  }
0x11: {  	[smem:$0x3FB3] =	sst s9;
	s0 =	simm.s32 @!p0 $0x0  }
0x12: {  	s1 =	sld [smem:$0x3F99];
	s0 =	simm.s32 @p0 $0x1  }
0x13: {  	[smem:$0x3FB4] =	sst s0;
	s0 =	simm.s32 @!p1 $0x0  }
0x14: {  	s2 =	sld [smem:$0x3F98];
	s0 =	simm.s32 @p1 $0x1  }
0x15: {  	[smem:$0x3FB5] =	sst s0;
	s0 =	simm.s32 @!p2 $0x0  }
0x16: {  	s3 =	sld [smem:$0x3FDB];
	s0 =	simm.s32 @p2 $0x1  }
0x17: {  	s4 =	simm.s32 $0x1BF5;
	[smem:$0x3FB7] =	sst s0  }
0x18: {  	s0 =	sld [smem:$0x3F9A];
	_ =	swait.ge [sflag:s4], $0x0  }
0x19: {  	s7 =	sld [smem:$0x3F9B]  }
0x1a: {  	s8 =	sadd.s32 $0xFFFFE003, lr  }
0x1b: {  	s9 =	sadd.s32 $0xFFFFFEF7, lr;
	s5 =	simm.s32 $0xFFFFFFFF;
	p2 =	slt.u32 s8, $0xFFFFF086  }
0x1c: {  	p1 =	slt.u32 s9, $0xF7A;
	s5 =	simm.s32 @!p2 $0x0  }
0x1d: {  	s5 =	simm.s32 @p1 $0x1;
	p0 =	seq.s32 s7, s2  }
0x1e: {  	s7 =	smul.u32 @!p0 $0xF7A, s2;
	p2 =	seq.s32 @!p0 s5, $0x0  }
0x1f: {  	s9 =	smul.u32 $0xF7A, s1;
	s8 =	simm.s32 @!p0 $0x1BF5;
	p2 =	por !p2, p0  }
0x20: {  	[sflag:s8] =	ssyncset.s32 @!p0 $0xFFFFF086;
	s6 =	sadd.s32 @!p0 s3, s7;
	s7 =	simm.s32 @!p0 $0x108  }
0x21: {  	s3 =	sadd.s32 s3, s9;
	s6 =	sadd.s32 @!p0 $0x88, s6;
	s7 =	simm.s32 @p2 $0x1082  }
0x22: {  	[simem:s7], [sflag:s8] =	dma.local @!p0 [hbm:s6], $0xF7A  }
0x23: {  	s9 =	sor.u32 $0xD0000000, s2;
	s6 =	simm.s32 $0x108;
	_ =	swait.ge @!p0 [sflag:s8], $0x0  }
0x24: {  	s3 =	sadd.s32 $0x88, s3;
	s6 =	simm.s32 @!p1 $0x1082;
	[sflag:s4] =	ssyncset.s32 $0xFFFFF086  }
0x25: {  	[simem:s6], [sflag:s4] =	dma.local [hbm:s3], $0xF7A  }
0x26: {  	[smem:$0x3F9B] =	sst s1;
	(tag) =	ssettag s2;
	_ =	strace s9  }
0x27: {  	s1 =	sld [smem:$0x3FAB]  }
0x28: {  	s2 =	sld [smem:$0x3FAC]  }
0x29: {  	s4 =	sld [smem:$0x3FAE]  }
0x2a: {  	p0 =	seq.s32 s5, $0x0;
	s5 =	sld [smem:$0x3FAF]  }
0x2b: {  	s6 =	sld [smem:$0x3FB0]  }
0x2c: {  	s7 =	sld [smem:$0x3FB1]  }
0x2d: {  	s3 =	simm.s32 $0x108;
	s8 =	sld [smem:$0x3FB2]  }
0x2e: {  	s3 =	simm.s32 @!p0 $0x1082;
	s9 =	sld [smem:$0x3FB3]  }
0x2f: {  	lr =	sadd.s32 s0, s3;
	s0 =	sld [smem:$0x3FAA]  }
0x30: {  	s3 =	sld [smem:$0x3FAD]  }
0x31: {  	[smem:$0x3FB6] =	sst s10  }
0x32: {  	s10 =	sld [smem:$0x3FB4];
	_ =	sdelay $0x3  }
0x33: {  	p0 =	seq.s32 s10, $0x1;
	s10 =	sld [smem:$0x3FB6];
	_ =	sdelay $0x3  }
0x34: {  	[smem:$0x3FB6] =	sst s10  }
0x35: {  	s10 =	sld [smem:$0x3FB5];
	_ =	sdelay $0x3  }
0x36: {  	p1 =	seq.s32 s10, $0x1;
	s10 =	sld [smem:$0x3FB6];
	_ =	sdelay $0x3  }
0x37: {  	[smem:$0x3FB6] =	sst s10  }
0x38: {  	s10 =	sld [smem:$0x3FB7]  }
0x39: {  	_ = 	snop;
	(pc) =	sbr.ind lr, $3  }
0x3a: {  	_ = 	snop  }
0x3b: {  	_ = 	snop  }
0x3c: {  	p2 =	seq.s32 s10, $0x1;
	s10 =	sld [smem:$0x3FB6]  }
0x3d: {  	_ =	shalt  }
0x3e: {  	_ =	shalt  }
0x3f: {  	_ =	shalt  }
0x40: {  	_ =	shalt  }
0x41: {  	_ =	shalt  }
0x42: {  	_ =	shalt  }
0x43: {  	_ =	shalt  }
0x44: {  	_ =	shalt  }
0x45: {  	_ =	shalt  }
0x46: {  	_ =	shalt  }
0x47: {  	_ =	shalt  }
0x48: {  	_ =	shalt  }
0x49: {  	_ =	shalt  }
0x4a: {  	_ =	shalt  }
0x4b: {  	_ =	shalt  }
0x4c: {  	_ =	shalt  }
0x4d: {  	_ =	shalt  }
0x4e: {  	_ =	shalt  }
0x4f: {  	_ =	shalt  }
0x50: {  	_ =	shalt  }
0x51: {  	_ =	shalt  }
0x52: {  	_ =	shalt  }
0x53: {  	_ =	shalt  }
0x54: {  	_ =	shalt  }
0x55: {  	_ =	shalt  }
0x56: {  	_ =	shalt  }
0x57: {  	_ =	shalt  }
0x58: {  	_ =	shalt  }
0x59: {  	_ =	shalt  }
0x5a: {  	_ =	shalt  }
0x5b: {  	_ =	shalt  }
0x5c: {  	_ =	shalt  }
0x5d: {  	_ =	shalt  }
0x5e: {  	_ =	shalt  }
0x5f: {  	_ =	shalt  }
0x60: {  	_ =	shalt  }
0x61: {  	_ =	shalt  }
0x62: {  	_ =	shalt  }
0x63: {  	_ =	shalt  }
0x64: {  	_ =	shalt  }
0x65: {  	_ =	shalt  }
0x66: {  	_ =	shalt  }
0x67: {  	_ =	shalt  }
0x68: {  	_ =	shalt  }
0x69: {  	_ =	shalt  }
0x6a: {  	_ =	shalt  }
0x6b: {  	_ =	shalt  }
0x6c: {  	_ =	shalt  }
0x6d: {  	_ =	shalt  }
0x6e: {  	_ =	shalt  }
0x6f: {  	_ =	shalt  }
0x70: {  	_ =	shalt  }
0x71: {  	_ =	shalt  }
0x72: {  	_ =	shalt  }
0x73: {  	_ =	shalt  }
0x74: {  	_ =	shalt  }
0x75: {  	_ =	shalt  }
0x76: {  	_ =	shalt  }
0x77: {  	_ =	shalt  }
0x78: {  	_ =	shalt  }
0x79: {  	_ =	shalt  }
0x7a: {  	_ =	shalt  }
0x7b: {  	_ =	shalt  }
0x7c: {  	_ =	shalt  }
0x7d: {  	_ =	shalt  }
0x7e: {  	_ =	shalt  }
0x7f: {  	_ =	shalt  }
0x80: {  	_ =	shalt  }
0x81: {  	_ =	shalt  }
0x82: {  	_ =	shalt  }
0x83: {  	_ =	shalt  }
0x84: {  	_ =	shalt  }
0x85: {  	_ =	shalt  }
0x86: {  	_ =	shalt  }
0x87: {  	_ =	shalt  }
.Lfunc_end0:
.L_simem_size_0:
called_computation.1_lowered:
.L_overlay_start_0:
0x88: {  	s2 =	sld [smem:$0x3FD9]  }
0x89: {  	s3 =	sld [smem:$0x3FFE];
	_ =	sdelay $0x1  }
0x8a: {  	s1 =	srdreg.scid  }
0x8b: {  	s0 =	sand.u32 $0x1, s1  }
0x8c: {  	s17 =	sshll.u32 s0, $0xA;
	s2 =	sadd.s32 s3, s2  }
0x8d: {  	s2 =	sadd.s32 s2, s17  }
0x8e: {  	[smem:$0x3FC2] =	sst s2  }
0x8f: {  	_ = 	snop  }
0x90: {  	s2 =	sld [smem:$0x3FD0];
	(tm) =	ssettm $0x1  }
0x91: {  	s18 =	sld [smem:$0x3FFB];
	_ =	sdelay $0x3  }
0x92: {  	_ =	strace s18  }
0x93: {  	s3 =	sld [smem:$0x3FFC];
	_ =	sdelay $0x3  }
0x94: {  	_ =	strace s3  }
0x95: {  	s3 =	sld [smem:$0x3FFD];
	_ =	sdelay $0x3  }
0x96: {  	_ =	strace s3  }
0x97: {  	_ =	strace $0x8FFFFFFF  }
0x98: {  	s19 =	sld [smem:$0x3FDB];
	_ =	sdelay $0x1  }
0x99: {  	s4 =	simm.s32 $_scs_section_size  }
0x9a: {  	s5 =	simm.s32 $_size__tile_overlayer_lowered;
	s6 =	simm.s32 $_tile_overlayer_lowered  }
0x9b: {  	s22 =	simm.s32 $0x1BFF;
	s21 =	sshll.u32 s6, $0x1;
	s3 =	sadd.s32 s4, s19  }
0x9c: {  	s7 =	simm.s32 $0x0;
	s20 =	sshll.u32 s5, $0x1;
	s5 =	sadd.s32 s21, s3  }
0x9d: {  	[timem:s7], [sflag:s22] =	dma.local [hbm:s5], s20  }
0x9e: {  	_ =	swait.ge [sflag:s22], s20  }
0x9f: {  	s4 =	ssub.s32 $0x0, s20;
	[sflag:s22] =	ssyncset.done $0x0  }
0xa0: {  	[sflag:s22] =	ssyncadd.s32 s4;
	_ =	sdelay $0x1  }
0xa1: {  	s23 =	simm.s32 $0x1B8B  }
0xa2: {  	_ =	swait.ge [sflag:s23], $0x1  }
0xa3: {  	[sflag:s23] =	ssyncset.done $0x0  }
0xa4: {  	s25 =	simm.s32 $0x1B8E;
	s24 =	sld [smem:$0x3FFE];
	[sflag:s23] =	ssyncadd.s32 $0xFFFFFFFF  }
0xa5: {  	s26 =	simm.s32 $execute0_lowered;
	[smem:$0x3FD2] =	sst s25  }
0xa6: {  	s5 =	sshll.u32 s26, $0x1;
	_ =	strace $0x80000049;
	[dreg:$0x1] =	wrdreg $0xFFFFFFFF  }
0xa7: {  	s28 =	simm.s32 $_size_execute0_lowered;
	s3 =	sadd.s32 s3, s5;
	[dreg:$0x0] =	wrdreg $0x0  }
0xa8: {  	s5 =	sshll.u32 s28, $0x1;
	[dreg:$0x2] =	wrdreg s3  }
0xa9: {  	[dreg:$0x3] =	wrdreg s5  }
0xaa: {  	[dreg:$0x4] =	wrdreg $0xC0  }
0xab: {  	_ =	task [dreg:s7], $0x5FFFF  }
0xac: {  	[dreg:$0x1] =	wrdreg $0xFFFFFFFF  }
0xad: {  	[dreg:$0x0] =	wrdreg $0x60  }
0xae: {  	[dreg:$0x2] =	wrdreg s2  }
0xaf: {  	[dreg:$0x3] =	wrdreg s24  }
0xb0: {  	[dreg:$0x4] =	wrdreg $0xCF000  }
0xb1: {  	[dreg:$0x5] =	wrdreg $0x9  }
0xb2: {  	_ =	task.clear_ibuf [dreg:s7], $0x6FFFF;
	_ =	strace $0x90000049  }
0xb3: {  	s29 =	simm.s32 $0x9;
	_ =	strace $0x8000004B  }
0xb4: {  	_ =	swait.ge [sflag:s29], $0x1  }
0xb5: {  	[sflag:s29] =	ssyncadd.s32 $0xFFFFFFFF  }
0xb6: {  	_ =	strace $0x9000004B  }
0xb7: {  	_ =	sfence  }
0xb8: {  	s30 =	sld [smem:$0x0];
	_ =	sdelay $0x2  }
0xb9: {  	s31 =	sshll.u32 s1, $0xD;
	s1 =	sshrl.u32 s1, $0x2  }
0xba: {  	s3 =	sand.u32 $0x4000, s31;
	s1 =	sadd.s32 s1, s30  }
0xbb: {  	s0 =	sor.u32 s3, s0;
	s1 =	sshll.u32 s1, $0x11  }
0xbc: {  	s0 =	sor.u32 s1, s0  }
0xbd: {  	s0 =	sadd.s32 $0x8F2B, s0  }
0xbe: {  	[sflag:s0] =	ssyncadd.remote.s32 $0x1  }
0xbf: {  	_ =	sfence.sel $0xFFFF  }
0xc0: {  	[dreg:$0x0] =	wrdreg $0xFFFFFFFF;
	(pc) =	sbr.abs _section_cstart, $3  }
0xc1: {  	[dreg:$0x1] =	wrdreg $0xFFFFFFFF  }
0xc2: {  	_ =	task.clear_ibuf [dreg:s7], $0x2FFFF;
	_ =	strace $0x9FFFFFFF  }
0xc3: {  	(tm) =	ssettm $0x7FFFFFFF  }
tec
execute0_lowered:
.L_overlay_start_1:
0x0: {  	(tag) =	ssettag $0x1  }
0x1: {  	s1 =	rddreg [dreg:$0x0]  }
0x2: {  	s0 =	rddreg [dreg:$0x1]  }
0x3: {  	s3 =	rddreg [dreg:$0x2];
	s4 =	simm.s32 $0x0;
	s8 =	stileid.u32  }
0x4: {  	s6 =	srdreg.scid;
	s13 =	simm.s32 $0x3;
	s14 =	simm.s32 $0x2780  }
0x5: {  	s17 =	simm.s32 $0x80;
	s18 =	simm.s32 $0x4F00;
	s19 =	simm.s32 $0x6F00  }
0x6: {  	s20 =	simm.s32 $0x1;
	s22 =	simm.s32 $0x8F00;
	s23 =	simm.s32 $0x180  }
0x7: {  	s24 =	simm.s32 $0xAF00;
	s25 =	simm.s32 $0x2800;
	s26 =	simm.s32 $0x2  }
0x8: {  	s28 =	simm.s32 $0x0;
	[smem:$0x7FF] =	sst s4;
	s2 =	smul.u32 $0x4F0, s8  }
0x9: {  	s5 =	sadd.s32 $0x17600, s0;
	s7 =	sand.u32 $0x1, s6;
	s6 =	sadd.s32 $0x16200, s0  }
0xa: {  	s11 =	smul.u32 $0x14000, s8;
	s10 =	sadd.s32 $0x3F600, s0;
	s31 =	sshll.u32 s8, $0x6  }
0xb: {  	_ =	strace $0x8000004A;
	s9 =	ssub.s32 $0x2, s7;
	[dreg:$0x4] =	wrdreg s10  }
.Ltmp0:
0xc: {  	p0 =	sne.s32 s7, $0x0;
	s15 =	sor.u32 $0x1C03, s31;
	(pc) =	sbr.rel .LBB2_1-.Ltmp0, $4  }
0xd: {  	s2 =	sadd.s32 s2, s0;
	s0 =	sadd.s32 $0x2B600, s0;
	s29 =	sshrl.u32 s9, $0x1  }
0xe: {  	s12 =	sshrl.u32 s11, $0x1;
	s11 =	sshrl.u32 s11, $0x4;
	[dreg:$0x5] =	wrdreg s0  }
0xf: {  	s0 =	ssub.s32 s9, s29;
	s9 =	sadd.s32 $0x7200, s2;
	s30 =	sadd.s32 s12, s3  }
0x10: {  	s10 =	sadd.s32 $0x2200, s2;
	s12 =	smax.u32 s0, $0x1;
	s16 =	sshrl.u32 s30, $0x3  }
.LBB2_7:
0x11: {  	s0 =	sadd.s32 $0x4F00, s7  }
0x12: {  	[spmem:s3] =	stream.indirect.scatter.add.bf16 [tilespmem:s0], [sflag:$0x2], $0x40, s2, s17, $0xb8;
	[tilespmem:$0x16F00] =	vst v63  }
0x13: {  	s0 =	rddreg [dreg:$0x5]  }
.LBB2_8:
0x14: {  	_ =	swait.ge [sflag:s26], $0x2000  }
0x15: {  	[sflag:s26] =	ssyncset.done $0x0  }
0x16: {  	[sflag:s26] =	ssyncadd.s32 $0xFFFFE000  }
0x17: {  	_ =	swait.ge [sflag:s26], $0x2000  }
0x18: {  	s28 =	sadd.s32 $0x1, s28;
	[sflag:s26] =	ssyncset.done $0x0  }
0x19: {  	p1 =	sne.s32 s28, s12;
	[sflag:s26] =	ssyncadd.s32 $0xFFFFE000  }
.Ltmp1:
0x1a: {  	s0 =	sadd.s32 s0, s11;
	[bflag:$0x0] =	sbarrier.arrive $0xFFFF;
	(pc) =	sbr.rel @!p1 .LBB2_9-.Ltmp1, $4  }
0x1b: {  	[hbm:s0], [sflag:s15] =	dma.local [spmem:s16], $0x1400  }
0x1c: {  	_ =	swait.ge [sflag:s13], $0x1400  }
0x1d: {  	[sflag:s13] =	ssyncset.done $0x0  }
0x1e: {  	[sflag:s13] =	ssyncadd.s32 $0xFFFFEC00  }
.LBB2_1:
0x1f: {  	[tilespmem:s4], [sflag:$0x3] =	stream.linear.gather [hbm4b:s9+s4], $0x2780, $0x38;
	[tilespmem:$0x16F00] =	vst v63  }
0x20: {  	_ =	swait.ge [sflag:s13], $0x2780  }
0x21: {  	[sflag:s13] =	ssyncset.done $0x0  }
0x22: {  	[sflag:s13] =	ssyncadd.s32 $0xFFFFD880  }
0x23: {  	[tilespmem:s14], [sflag:$0x3] =	stream.linear.gather [hbm4b:s10+s4], $0x2780, $0x38;
	[tilespmem:$0x16F00] =	vst v63  }
0x24: {  	_ =	swait.ge [sflag:s13], $0x2780  }
0x25: {  	[sflag:s13] =	ssyncset.done $0x0  }
0x26: {  	[sflag:s13] =	ssyncadd.s32 $0xFFFFD880  }
0x27: {  	[spmem:s16], [sflag:s15] =	dma.local [hbm:s6], $0x1400  }
.Ltmp2:
0x28: {  	_ =	swait.ge [sflag:s13], $0x1400;
	(pc) =	sbr.rel @p0 .LBB2_5-.Ltmp2, $3  }
0x29: {  	[sflag:s13] =	ssyncset.done $0x0  }
0x2a: {  	[sflag:s13] =	ssyncadd.s32 $0xFFFFEC00  }
0x2b: {  	[bflag:$0x0] =	sbarrier.arrive $0xFFFF;
	_ =	sdelay $0x1  }
0x2c: {  	[tilespmem:s18], [sflag:$0x1] =	stream.indirect.gather [hbm4b:s1+s17], $0x40, s4, s17, $0xb8;
	[tilespmem:$0x16F00] =	vst v63  }
0x2d: {  	_ = 	snop  }
0x2e: {  	[tilespmem:s19], [sflag:$0x1] =	stream.indirect.gather [hbm4b:s1+s17], $0x40, s17, s17, $0xb8;
	[tilespmem:$0x16F00] =	vst v63  }
0x2f: {  	_ =	swait.ge [sflag:s20], $0x2000  }
0x30: {  	[sflag:s20] =	ssyncset.done $0x0  }
0x31: {  	s0 =	simm.s32 $0x100;
	[sflag:s20] =	ssyncadd.s32 $0xFFFFE000  }
0x32: {  	[tilespmem:s22], [sflag:$0x1] =	stream.indirect.gather [hbm4b:s1+s17], $0x40, s0, s17, $0xb8;
	[tilespmem:$0x16F00] =	vst v63  }
0x33: {  	_ = 	snop  }
0x34: {  	[spmem:s3] =	stream.indirect.scatter.add.bf16 [tilespmem:s18], [sflag:$0x2], $0x40, s14, s17, $0xb8;
	[tilespmem:$0x16F00] =	vst v63  }
0x35: {  	_ =	swait.ge [sflag:s20], $0x2000  }
0x36: {  	[sflag:s20] =	ssyncset.done $0x0  }
0x37: {  	[sflag:s20] =	ssyncadd.s32 $0xFFFFE000  }
0x38: {  	[tilespmem:s24], [sflag:$0x1] =	stream.indirect.gather [hbm4b:s1+s17], $0x40, s23, s17, $0xb8;
	[tilespmem:$0x16F00] =	vst v63  }
0x39: {  	_ = 	snop  }
0x3a: {  	[spmem:s3] =	stream.indirect.scatter.add.bf16 [tilespmem:s19], [sflag:$0x2], $0x40, s25, s17, $0xb8;
	[tilespmem:$0x16F00] =	vst v63  }
0x3b: {  	_ =	swait.ge [sflag:s20], $0x2000  }
0x3c: {  	s2 =	simm.s32 $0x200;
	[sflag:s20] =	ssyncset.done $0x0  }
0x3d: {  	p1 =	por $0x0, $0x0;
	s0 =	simm.s32 $0x20000;
	[sflag:s20] =	ssyncadd.s32 $0xFFFFE000  }
0x3e: {  	s29 =	simm.s32 $0x10000;
	s0 =	sand.u32 @!p1 $0x18000, s0;
	_ =	swait.ge [sflag:s26], $0x2000  }
0x3f: {  	s7 =	simm.s32 @!p1 $0x80;
	s0 =	sshrl.u32 @!p1 s0, $0x2;
	[sflag:s26] =	ssyncset.done $0x0  }
0x40: {  	s31 =	sand.u32 $0x18000, s29;
	s0 =	sadd.s32 @!p1 $0x4F00, s0;
	[sflag:s26] =	ssyncadd.s32 $0xFFFFE000  }
0x41: {  	[tilespmem:s0], [sflag:$0x1] =	stream.indirect.gather @!p1 [hbm4b:s1+s7], $0x40, s2, s7, $0xb8;
	[tilespmem:$0x16F00] =	vst v63  }
0x42: {  	s30 =	simm.s32 $0x3;
	s29 =	simm.s32 $0x2880;
	s7 =	sshrl.u32 s31, $0x2  }
0x43: {  	s31 =	simm.s32 $0x28000;
	s0 =	simm.s32 $0x280;
	s2 =	simm.s32 $0x2880  }
.LBB2_3:
0x44: {  	s7 =	sadd.s32 $0x4F00, s7  }
0x45: {  	s29 =	sadd.s32 $0x80, s29;
	s8 =	smov.u32 s30;
	s30 =	sadd.s32 $0x1, s30  }
0x46: {  	[spmem:s3] =	stream.indirect.scatter.add.bf16 [tilespmem:s7], [sflag:$0x2], $0x40, s2, s17, $0xb8;
	[tilespmem:$0x16F00] =	vst v63  }
0x47: {  	p1 =	seq.s32 s30, $0x4F;
	s2 =	smov.u32 s29;
	_ =	swait.ge [sflag:s20], $0x2000  }
0x48: {  	p2 =	sgt.u32 s8, $0x4C;
	[sflag:s20] =	ssyncset.done $0x0  }
0x49: {  	s7 =	sand.u32 @!p2 $0x18000, s31;
	[sflag:s20] =	ssyncadd.s32 $0xFFFFE000  }
.Ltmp3:
0x4a: {  	s8 =	simm.s32 @!p2 $0x80;
	_ =	swait.ge [sflag:s26], $0x2000;
	(pc) =	sbr.rel @!p1 .LBB2_3-.Ltmp3, $4  }
0x4b: {  	s21 =	sadd.s32 $0xFFFF0000, s31;
	s7 =	sshrl.u32 @!p2 s7, $0x2;
	[sflag:s26] =	ssyncset.done $0x0  }
0x4c: {  	s21 =	sand.u32 $0x18000, s21;
	s7 =	sadd.s32 @!p2 $0x4F00, s7;
	[sflag:s26] =	ssyncadd.s32 $0xFFFFE000  }
0x4d: {  	[tilespmem:s7], [sflag:$0x1] =	stream.indirect.gather @!p2 [hbm4b:s1+s8], $0x40, s0, s8, $0xb8;
	[tilespmem:$0x16F00] =	vst v63  }
0x4e: {  	s31 =	sadd.s32 $0x8000, s31;
	s7 =	sshrl.u32 s21, $0x2;
	s0 =	sadd.s32 $0x80, s0  }
.Ltmp4:
0x4f: {  	(pc) =	sbr.rel .LBB2_8-.Ltmp4, $4  }
0x50: {  	_ = 	snop  }
0x51: {  	s0 =	sadd.s32 $0x4F00, s7  }
0x52: {  	[spmem:s3] =	stream.indirect.scatter.add.bf16 [tilespmem:s0], [sflag:$0x2], $0x40, s2, s17, $0xb8;
	[tilespmem:$0x16F00] =	vst v63  }
0x53: {  	s0 =	rddreg [dreg:$0x4]  }
.LBB2_5:
0x54: {  	[tilespmem:s18], [sflag:$0x1] =	stream.indirect.gather [hbm4b:s5+s17], $0x40, s4, s17, $0xb8;
	[tilespmem:$0x16F00] =	vst v63  }
0x55: {  	_ = 	snop  }
0x56: {  	[tilespmem:s19], [sflag:$0x1] =	stream.indirect.gather [hbm4b:s5+s17], $0x40, s17, s17, $0xb8;
	[tilespmem:$0x16F00] =	vst v63  }
0x57: {  	_ =	swait.ge [sflag:s20], $0x2000  }
0x58: {  	[sflag:s20] =	ssyncset.done $0x0  }
0x59: {  	s0 =	simm.s32 $0x100;
	[sflag:s20] =	ssyncadd.s32 $0xFFFFE000  }
0x5a: {  	[tilespmem:s22], [sflag:$0x1] =	stream.indirect.gather [hbm4b:s5+s17], $0x40, s0, s17, $0xb8;
	[tilespmem:$0x16F00] =	vst v63  }
0x5b: {  	_ = 	snop  }
0x5c: {  	[spmem:s3] =	stream.indirect.scatter.add.bf16 [tilespmem:s18], [sflag:$0x2], $0x40, s14, s17, $0xb8;
	[tilespmem:$0x16F00] =	vst v63  }
0x5d: {  	_ =	swait.ge [sflag:s20], $0x2000  }
0x5e: {  	[sflag:s20] =	ssyncset.done $0x0  }
0x5f: {  	[sflag:s20] =	ssyncadd.s32 $0xFFFFE000  }
0x60: {  	[tilespmem:s24], [sflag:$0x1] =	stream.indirect.gather [hbm4b:s5+s17], $0x40, s23, s17, $0xb8;
	[tilespmem:$0x16F00] =	vst v63  }
0x61: {  	_ = 	snop  }
0x62: {  	[spmem:s3] =	stream.indirect.scatter.add.bf16 [tilespmem:s19], [sflag:$0x2], $0x40, s25, s17, $0xb8;
	[tilespmem:$0x16F00] =	vst v63  }
0x63: {  	s2 =	simm.s32 $0x200;
	p1 =	por $0x0, $0x0;
	_ =	swait.ge [sflag:s20], $0x2000  }
0x64: {  	s8 =	simm.s32 $0x10000;
	s29 =	simm.s32 $0x2880;
	[sflag:s20] =	ssyncset.done $0x0  }
0x65: {  	s30 =	simm.s32 $0x3;
	s0 =	simm.s32 $0x20000;
	[sflag:s20] =	ssyncadd.s32 $0xFFFFE000  }
0x66: {  	s31 =	simm.s32 $0x28000;
	s0 =	sand.u32 @!p1 $0x18000, s0;
	_ =	swait.ge [sflag:s26], $0x2000  }
0x67: {  	s7 =	simm.s32 @!p1 $0x80;
	s0 =	sshrl.u32 @!p1 s0, $0x2;
	[sflag:s26] =	ssyncset.done $0x0  }
0x68: {  	s8 =	sand.u32 $0x18000, s8;
	s0 =	sadd.s32 @!p1 $0x4F00, s0;
	[sflag:s26] =	ssyncadd.s32 $0xFFFFE000  }
0x69: {  	[tilespmem:s0], [sflag:$0x1] =	stream.indirect.gather @!p1 [hbm4b:s5+s7], $0x40, s2, s7, $0xb8;
	[tilespmem:$0x16F00] =	vst v63  }
0x6a: {  	s7 =	sshrl.u32 s8, $0x2;
	s0 =	simm.s32 $0x280;
	s2 =	simm.s32 $0x2880  }
.LBB2_6:
0x6b: {  	s7 =	sadd.s32 $0x4F00, s7  }
0x6c: {  	s29 =	sadd.s32 $0x80, s29;
	s8 =	smov.u32 s30;
	s30 =	sadd.s32 $0x1, s30  }
0x6d: {  	[spmem:s3] =	stream.indirect.scatter.add.bf16 [tilespmem:s7], [sflag:$0x2], $0x40, s2, s17, $0xb8;
	[tilespmem:$0x16F00] =	vst v63  }
0x6e: {  	p1 =	sne.s32 s30, $0x4F;
	s2 =	smov.u32 s29;
	_ =	swait.ge [sflag:s20], $0x2000  }
0x6f: {  	p2 =	sgt.u32 s8, $0x4C;
	[sflag:s20] =	ssyncset.done $0x0  }
0x70: {  	s7 =	sand.u32 @!p2 $0x18000, s31;
	[sflag:s20] =	ssyncadd.s32 $0xFFFFE000  }
.Ltmp5:
0x71: {  	s8 =	simm.s32 @!p2 $0x80;
	_ =	swait.ge [sflag:s26], $0x2000;
	(pc) =	sbr.rel @p1 .LBB2_6-.Ltmp5, $4  }
0x72: {  	s21 =	sadd.s32 $0xFFFF0000, s31;
	s7 =	sshrl.u32 @!p2 s7, $0x2;
	[sflag:s26] =	ssyncset.done $0x0  }
0x73: {  	s21 =	sand.u32 $0x18000, s21;
	s7 =	sadd.s32 @!p2 $0x4F00, s7;
	[sflag:s26] =	ssyncadd.s32 $0xFFFFE000  }
0x74: {  	[tilespmem:s7], [sflag:$0x1] =	stream.indirect.gather @!p2 [hbm4b:s5+s8], $0x40, s0, s8, $0xb8;
	[tilespmem:$0x16F00] =	vst v63  }
0x75: {  	s31 =	sadd.s32 $0x8000, s31;
	s7 =	sshrl.u32 s21, $0x2;
	s0 =	sadd.s32 $0x80, s0  }
.Ltmp6:
0x76: {  	_ = 	snop;
	(pc) =	sbr.rel .LBB2_7-.Ltmp6, $1  }
0x77: {  	_ =	sdelay $0x3  }
.LBB2_9:
0x78: {  	_ =	sfence.sel $0x180000  }
0x79: {  	[bflag:$0x0] =	sbarrier.arrive $0xFFFF  }
0x7a: {  	_ =	strace $0x9000004A  }
0x7b: {  	s0 =	stileid.u32;
	[bflag:$0x2] =	sbarrier.arrive $0xFFFF  }
0x7c: {  	p0 =	sne.s32 s0, $0x0;
	s0 =	rddreg [dreg:$0x3]  }
0x7d: {  	s0 =	sadd.s32 @!p0 $0x100000, s0  }
0x7e: {  	[sflag:s0] =	ssyncadd.tile.s32 @!p0 $0x1;
	_ =	shalt  }
.Lfunc_end2:
_tile_overlayer_lowered:
.L_overlay_start_2:
0x7f: {  	(tag) =	ssettag $0x2  }
0x80: {  	s0 =	rddreg [dreg:$0x0];
	s2 =	stileid.u32  }
0x81: {  	s1 =	rddreg [dreg:$0x1];
	p0 =	sne.s32 s2, $0x0  }
0x82: {  	s3 =	rddreg [dreg:$0x2];
	[bflag:$0x3] =	sbarrier.arrive $0xFFFF;
	s2 =	simm.s32 @!p0 $0x1C03  }
0x83: {  	[timem:s3], [sflag:s2] =	dma.local @!p0 [hbm:s0], s1  }
0x84: {  	s0 =	simm.s32 @!p0 $0x3  }
0x85: {  	_ =	swait.ge @!p0 [sflag:s0], s1  }
0x86: {  	s1 =	ssub.s32 @!p0 $0x0, s1;
	[sflag:s0] =	ssyncset.done @!p0 $0x0  }
0x87: {  	[sflag:s0] =	ssyncadd.s32 @!p0 s1  }
0x88: {  	[bflag:$0x3] =	sbarrier.arrive $0xFFFF  }
0x89: {  	_ =	shalt  }

// kernel: kernel.14.cloned.1.call-start
scs
__scs_entry_jumppad:
0x0: {  	(pc) =	sbr.rel $0x88, $3  }
0x1: {  	(tag) =	ssettag $0x0;
	lr =	simm.s32 $0x1  }
0x2: {  	[smem:$0x3F9B] =	sst lr;
	_ =	strace $0xD0000000  }
0x3: {  	_ = 	snop  }
0x4: {  	_ = 	snop  }
0x5: {  	_ = 	snop  }
0x6: {  	_ = 	snop  }
0x7: {  	_ = 	snop  }
__scs_overlays_trampoline_lowered:
0x8: {  	[smem:$0x3FAA] =	sst s0  }
0x9: {  	[smem:$0x3FAB] =	sst s1  }
0xa: {  	[smem:$0x3FAC] =	sst s2  }
0xb: {  	[smem:$0x3FAD] =	sst s3  }
0xc: {  	[smem:$0x3FAE] =	sst s4  }
0xd: {  	[smem:$0x3FAF] =	sst s5  }
0xe: {  	[smem:$0x3FB0] =	sst s6  }
0xf: {  	[smem:$0x3FB1] =	sst s7  }
0x10: {  	[smem:$0x3FB2] =	sst s8  }
0x11: {  	[smem:$0x3FB3] =	sst s9;
	s0 =	simm.s32 @!p0 $0x0  }
0x12: {  	s1 =	sld [smem:$0x3F99];
	s0 =	simm.s32 @p0 $0x1  }
0x13: {  	[smem:$0x3FB4] =	sst s0;
	s0 =	simm.s32 @!p1 $0x0  }
0x14: {  	s2 =	sld [smem:$0x3F98];
	s0 =	simm.s32 @p1 $0x1  }
0x15: {  	[smem:$0x3FB5] =	sst s0;
	s0 =	simm.s32 @!p2 $0x0  }
0x16: {  	s3 =	sld [smem:$0x3FDB];
	s0 =	simm.s32 @p2 $0x1  }
0x17: {  	s4 =	simm.s32 $0x1BF5;
	[smem:$0x3FB7] =	sst s0  }
0x18: {  	s0 =	sld [smem:$0x3F9A];
	_ =	swait.ge [sflag:s4], $0x0  }
0x19: {  	s7 =	sld [smem:$0x3F9B]  }
0x1a: {  	s8 =	sadd.s32 $0xFFFFE003, lr  }
0x1b: {  	s9 =	sadd.s32 $0xFFFFFEF7, lr;
	s5 =	simm.s32 $0xFFFFFFFF;
	p2 =	slt.u32 s8, $0xFFFFF086  }
0x1c: {  	p1 =	slt.u32 s9, $0xF7A;
	s5 =	simm.s32 @!p2 $0x0  }
0x1d: {  	s5 =	simm.s32 @p1 $0x1;
	p0 =	seq.s32 s7, s2  }
0x1e: {  	s7 =	smul.u32 @!p0 $0xF7A, s2;
	p2 =	seq.s32 @!p0 s5, $0x0  }
0x1f: {  	s9 =	smul.u32 $0xF7A, s1;
	s8 =	simm.s32 @!p0 $0x1BF5;
	p2 =	por !p2, p0  }
0x20: {  	[sflag:s8] =	ssyncset.s32 @!p0 $0xFFFFF086;
	s6 =	sadd.s32 @!p0 s3, s7;
	s7 =	simm.s32 @!p0 $0x108  }
0x21: {  	s3 =	sadd.s32 s3, s9;
	s6 =	sadd.s32 @!p0 $0x88, s6;
	s7 =	simm.s32 @p2 $0x1082  }
0x22: {  	[simem:s7], [sflag:s8] =	dma.local @!p0 [hbm:s6], $0xF7A  }
0x23: {  	s9 =	sor.u32 $0xD0000000, s2;
	s6 =	simm.s32 $0x108;
	_ =	swait.ge @!p0 [sflag:s8], $0x0  }
0x24: {  	s3 =	sadd.s32 $0x88, s3;
	s6 =	simm.s32 @!p1 $0x1082;
	[sflag:s4] =	ssyncset.s32 $0xFFFFF086  }
0x25: {  	[simem:s6], [sflag:s4] =	dma.local [hbm:s3], $0xF7A  }
0x26: {  	[smem:$0x3F9B] =	sst s1;
	(tag) =	ssettag s2;
	_ =	strace s9  }
0x27: {  	s1 =	sld [smem:$0x3FAB]  }
0x28: {  	s2 =	sld [smem:$0x3FAC]  }
0x29: {  	s4 =	sld [smem:$0x3FAE]  }
0x2a: {  	p0 =	seq.s32 s5, $0x0;
	s5 =	sld [smem:$0x3FAF]  }
0x2b: {  	s6 =	sld [smem:$0x3FB0]  }
0x2c: {  	s7 =	sld [smem:$0x3FB1]  }
0x2d: {  	s3 =	simm.s32 $0x108;
	s8 =	sld [smem:$0x3FB2]  }
0x2e: {  	s3 =	simm.s32 @!p0 $0x1082;
	s9 =	sld [smem:$0x3FB3]  }
0x2f: {  	lr =	sadd.s32 s0, s3;
	s0 =	sld [smem:$0x3FAA]  }
0x30: {  	s3 =	sld [smem:$0x3FAD]  }
0x31: {  	[smem:$0x3FB6] =	sst s10  }
0x32: {  	s10 =	sld [smem:$0x3FB4];
	_ =	sdelay $0x3  }
0x33: {  	p0 =	seq.s32 s10, $0x1;
	s10 =	sld [smem:$0x3FB6];
	_ =	sdelay $0x3  }
0x34: {  	[smem:$0x3FB6] =	sst s10  }
0x35: {  	s10 =	sld [smem:$0x3FB5];
	_ =	sdelay $0x3  }
0x36: {  	p1 =	seq.s32 s10, $0x1;
	s10 =	sld [smem:$0x3FB6];
	_ =	sdelay $0x3  }
0x37: {  	[smem:$0x3FB6] =	sst s10  }
0x38: {  	s10 =	sld [smem:$0x3FB7]  }
0x39: {  	_ = 	snop;
	(pc) =	sbr.ind lr, $3  }
0x3a: {  	_ = 	snop  }
0x3b: {  	_ = 	snop  }
0x3c: {  	p2 =	seq.s32 s10, $0x1;
	s10 =	sld [smem:$0x3FB6]  }
0x3d: {  	_ =	shalt  }
0x3e: {  	_ =	shalt  }
0x3f: {  	_ =	shalt  }
0x40: {  	_ =	shalt  }
0x41: {  	_ =	shalt  }
0x42: {  	_ =	shalt  }
0x43: {  	_ =	shalt  }
0x44: {  	_ =	shalt  }
0x45: {  	_ =	shalt  }
0x46: {  	_ =	shalt  }
0x47: {  	_ =	shalt  }
0x48: {  	_ =	shalt  }
0x49: {  	_ =	shalt  }
0x4a: {  	_ =	shalt  }
0x4b: {  	_ =	shalt  }
0x4c: {  	_ =	shalt  }
0x4d: {  	_ =	shalt  }
0x4e: {  	_ =	shalt  }
0x4f: {  	_ =	shalt  }
0x50: {  	_ =	shalt  }
0x51: {  	_ =	shalt  }
0x52: {  	_ =	shalt  }
0x53: {  	_ =	shalt  }
0x54: {  	_ =	shalt  }
0x55: {  	_ =	shalt  }
0x56: {  	_ =	shalt  }
0x57: {  	_ =	shalt  }
0x58: {  	_ =	shalt  }
0x59: {  	_ =	shalt  }
0x5a: {  	_ =	shalt  }
0x5b: {  	_ =	shalt  }
0x5c: {  	_ =	shalt  }
0x5d: {  	_ =	shalt  }
0x5e: {  	_ =	shalt  }
0x5f: {  	_ =	shalt  }
0x60: {  	_ =	shalt  }
0x61: {  	_ =	shalt  }
0x62: {  	_ =	shalt  }
0x63: {  	_ =	shalt  }
0x64: {  	_ =	shalt  }
0x65: {  	_ =	shalt  }
0x66: {  	_ =	shalt  }
0x67: {  	_ =	shalt  }
0x68: {  	_ =	shalt  }
0x69: {  	_ =	shalt  }
0x6a: {  	_ =	shalt  }
0x6b: {  	_ =	shalt  }
0x6c: {  	_ =	shalt  }
0x6d: {  	_ =	shalt  }
0x6e: {  	_ =	shalt  }
0x6f: {  	_ =	shalt  }
0x70: {  	_ =	shalt  }
0x71: {  	_ =	shalt  }
0x72: {  	_ =	shalt  }
0x73: {  	_ =	shalt  }
0x74: {  	_ =	shalt  }
0x75: {  	_ =	shalt  }
0x76: {  	_ =	shalt  }
0x77: {  	_ =	shalt  }
0x78: {  	_ =	shalt  }
0x79: {  	_ =	shalt  }
0x7a: {  	_ =	shalt  }
0x7b: {  	_ =	shalt  }
0x7c: {  	_ =	shalt  }
0x7d: {  	_ =	shalt  }
0x7e: {  	_ =	shalt  }
0x7f: {  	_ =	shalt  }
0x80: {  	_ =	shalt  }
0x81: {  	_ =	shalt  }
0x82: {  	_ =	shalt  }
0x83: {  	_ =	shalt  }
0x84: {  	_ =	shalt  }
0x85: {  	_ =	shalt  }
0x86: {  	_ =	shalt  }
0x87: {  	_ =	shalt  }
.Lfunc_end0:
.L_simem_size_0:
called_computation.2_lowered:
.L_overlay_start_0:
0x88: {  	s2 =	sld [smem:$0x3FD9]  }
0x89: {  	s3 =	sld [smem:$0x3FFE];
	_ =	sdelay $0x1  }
0x8a: {  	s1 =	srdreg.scid  }
0x8b: {  	s0 =	sand.u32 $0x1, s1  }
0x8c: {  	s17 =	sshll.u32 s0, $0xA;
	s2 =	sadd.s32 s3, s2  }
0x8d: {  	s2 =	sadd.s32 s2, s17  }
0x8e: {  	[smem:$0x3FC2] =	sst s2  }
0x8f: {  	_ = 	snop  }
0x90: {  	s2 =	sld [smem:$0x3FD0];
	(tm) =	ssettm $0x1  }
0x91: {  	s18 =	sld [smem:$0x3FFB];
	_ =	sdelay $0x3  }
0x92: {  	_ =	strace s18  }
0x93: {  	s3 =	sld [smem:$0x3FFC];
	_ =	sdelay $0x3  }
0x94: {  	_ =	strace s3  }
0x95: {  	s3 =	sld [smem:$0x3FFD];
	_ =	sdelay $0x3  }
0x96: {  	_ =	strace s3  }
0x97: {  	_ =	strace $0x8FFFFFFF  }
0x98: {  	s19 =	sld [smem:$0x3FDB];
	_ =	sdelay $0x1  }
0x99: {  	s4 =	simm.s32 $_scs_section_size  }
0x9a: {  	s5 =	simm.s32 $_size__tile_overlayer_lowered;
	s6 =	simm.s32 $_tile_overlayer_lowered  }
0x9b: {  	s22 =	simm.s32 $0x1BFF;
	s21 =	sshll.u32 s6, $0x1;
	s3 =	sadd.s32 s4, s19  }
0x9c: {  	s7 =	simm.s32 $0x0;
	s20 =	sshll.u32 s5, $0x1;
	s5 =	sadd.s32 s21, s3  }
0x9d: {  	[timem:s7], [sflag:s22] =	dma.local [hbm:s5], s20  }
0x9e: {  	_ =	swait.ge [sflag:s22], s20  }
0x9f: {  	s4 =	ssub.s32 $0x0, s20;
	[sflag:s22] =	ssyncset.done $0x0  }
0xa0: {  	[sflag:s22] =	ssyncadd.s32 s4;
	_ =	sdelay $0x1  }
0xa1: {  	s23 =	simm.s32 $0x1B8B  }
0xa2: {  	_ =	swait.ge [sflag:s23], $0x1  }
0xa3: {  	[sflag:s23] =	ssyncset.done $0x0  }
0xa4: {  	s25 =	simm.s32 $0x1B8E;
	s24 =	sld [smem:$0x3FFE];
	[sflag:s23] =	ssyncadd.s32 $0xFFFFFFFF  }
0xa5: {  	s26 =	simm.s32 $execute0_lowered;
	[smem:$0x3FD2] =	sst s25  }
0xa6: {  	s5 =	sshll.u32 s26, $0x1;
	_ =	strace $0x8000004C;
	[dreg:$0x1] =	wrdreg $0xFFFFFFFF  }
0xa7: {  	s28 =	simm.s32 $_size_execute0_lowered;
	s3 =	sadd.s32 s3, s5;
	[dreg:$0x0] =	wrdreg $0x0  }
0xa8: {  	s5 =	sshll.u32 s28, $0x1;
	[dreg:$0x2] =	wrdreg s3  }
0xa9: {  	[dreg:$0x3] =	wrdreg s5  }
0xaa: {  	[dreg:$0x4] =	wrdreg $0xC0  }
0xab: {  	_ =	task [dreg:s7], $0x5FFFF  }
0xac: {  	[dreg:$0x1] =	wrdreg $0xFFFFFFFF  }
0xad: {  	[dreg:$0x0] =	wrdreg $0x60  }
0xae: {  	[dreg:$0x2] =	wrdreg s2  }
0xaf: {  	[dreg:$0x3] =	wrdreg s24  }
0xb0: {  	[dreg:$0x4] =	wrdreg $0x8F000  }
0xb1: {  	[dreg:$0x5] =	wrdreg $0x9  }
0xb2: {  	_ =	task.clear_ibuf [dreg:s7], $0x6FFFF;
	_ =	strace $0x9000004C  }
0xb3: {  	s29 =	simm.s32 $0x9;
	_ =	strace $0x8000004E  }
0xb4: {  	_ =	swait.ge [sflag:s29], $0x1  }
0xb5: {  	[sflag:s29] =	ssyncadd.s32 $0xFFFFFFFF  }
0xb6: {  	_ =	strace $0x9000004E  }
0xb7: {  	_ =	sfence  }
0xb8: {  	s30 =	sld [smem:$0x0];
	_ =	sdelay $0x2  }
0xb9: {  	s31 =	sshll.u32 s1, $0xD;
	s1 =	sshrl.u32 s1, $0x2  }
0xba: {  	s3 =	sand.u32 $0x4000, s31;
	s1 =	sadd.s32 s1, s30  }
0xbb: {  	s0 =	sor.u32 s3, s0;
	s1 =	sshll.u32 s1, $0x11  }
0xbc: {  	s0 =	sor.u32 s1, s0  }
0xbd: {  	s0 =	sadd.s32 $0x8F2B, s0  }
0xbe: {  	[sflag:s0] =	ssyncadd.remote.s32 $0x1  }
0xbf: {  	_ =	sfence.sel $0xFFFF  }
0xc0: {  	[dreg:$0x0] =	wrdreg $0xFFFFFFFF;
	(pc) =	sbr.abs _section_cstart, $3  }
0xc1: {  	[dreg:$0x1] =	wrdreg $0xFFFFFFFF  }
0xc2: {  	_ =	task.clear_ibuf [dreg:s7], $0x2FFFF;
	_ =	strace $0x9FFFFFFF  }
0xc3: {  	(tm) =	ssettm $0x7FFFFFFF  }
tec
execute0_lowered:
.L_overlay_start_1:
0x0: {  	(tag) =	ssettag $0x1  }
0x1: {  	s1 =	rddreg [dreg:$0x0]  }
0x2: {  	s0 =	rddreg [dreg:$0x1]  }
0x3: {  	s3 =	rddreg [dreg:$0x2];
	s4 =	simm.s32 $0x0;
	s8 =	stileid.u32  }
0x4: {  	s6 =	srdreg.scid;
	s13 =	simm.s32 $0x3;
	s14 =	simm.s32 $0x2780  }
0x5: {  	s17 =	simm.s32 $0x80;
	s18 =	simm.s32 $0x4F00;
	s19 =	simm.s32 $0x5F00  }
0x6: {  	s20 =	simm.s32 $0x1;
	s22 =	simm.s32 $0x6F00;
	s23 =	simm.s32 $0x180  }
0x7: {  	s24 =	simm.s32 $0x7F00;
	s25 =	simm.s32 $0x2800;
	s26 =	simm.s32 $0x2  }
0x8: {  	s28 =	simm.s32 $0x0;
	[smem:$0x7FF] =	sst s4;
	s2 =	smul.u32 $0x4F0, s8  }
0x9: {  	s5 =	sadd.s32 $0xCC00, s0;
	s7 =	sand.u32 $0x1, s6;
	s6 =	sadd.s32 $0xC200, s0  }
0xa: {  	s11 =	smul.u32 $0xA000, s8;
	s10 =	sadd.s32 $0x20C00, s0;
	s31 =	sshll.u32 s8, $0x6  }
0xb: {  	_ =	strace $0x8000004D;
	s9 =	ssub.s32 $0x2, s7;
	[dreg:$0x4] =	wrdreg s10  }
.Ltmp0:
0xc: {  	p0 =	sne.s32 s7, $0x0;
	s15 =	sor.u32 $0x1C03, s31;
	(pc) =	sbr.rel .LBB2_1-.Ltmp0, $4  }
0xd: {  	s2 =	sadd.s32 s2, s0;
	s0 =	sadd.s32 $0x16C00, s0;
	s29 =	sshrl.u32 s9, $0x1  }
0xe: {  	s12 =	sshrl.u32 s11, $0x1;
	s11 =	sshrl.u32 s11, $0x4;
	[dreg:$0x5] =	wrdreg s0  }
0xf: {  	s0 =	ssub.s32 s9, s29;
	s9 =	sadd.s32 $0x7200, s2;
	s30 =	sadd.s32 s12, s3  }
0x10: {  	s10 =	sadd.s32 $0x2200, s2;
	s12 =	smax.u32 s0, $0x1;
	s16 =	sshrl.u32 s30, $0x3  }
.LBB2_7:
0x11: {  	s0 =	sor.u32 $0x4F00, s7  }
0x12: {  	[spmem:s3] =	stream.indirect.scatter.add.bf16 [tilespmem:s0], [sflag:$0x2], $0x20, s2, s17, $0xb8;
	[tilespmem:$0xDF00] =	vst v63  }
0x13: {  	s0 =	rddreg [dreg:$0x5]  }
.LBB2_8:
0x14: {  	_ =	swait.ge [sflag:s26], $0x1000  }
0x15: {  	[sflag:s26] =	ssyncset.done $0x0  }
0x16: {  	[sflag:s26] =	ssyncadd.s32 $0xFFFFF000  }
0x17: {  	_ =	swait.ge [sflag:s26], $0x1000  }
0x18: {  	s28 =	sadd.s32 $0x1, s28;
	[sflag:s26] =	ssyncset.done $0x0  }
0x19: {  	p1 =	sne.s32 s28, s12;
	[sflag:s26] =	ssyncadd.s32 $0xFFFFF000  }
.Ltmp1:
0x1a: {  	s0 =	sadd.s32 s0, s11;
	[bflag:$0x0] =	sbarrier.arrive $0xFFFF;
	(pc) =	sbr.rel @!p1 .LBB2_9-.Ltmp1, $4  }
0x1b: {  	[hbm:s0], [sflag:s15] =	dma.local [spmem:s16], $0xA00  }
0x1c: {  	_ =	swait.ge [sflag:s13], $0xA00  }
0x1d: {  	[sflag:s13] =	ssyncset.done $0x0  }
0x1e: {  	[sflag:s13] =	ssyncadd.s32 $0xFFFFF600  }
.LBB2_1:
0x1f: {  	[tilespmem:s4], [sflag:$0x3] =	stream.linear.gather [hbm4b:s9+s4], $0x2780, $0x38;
	[tilespmem:$0xDF00] =	vst v63  }
0x20: {  	_ =	swait.ge [sflag:s13], $0x2780  }
0x21: {  	[sflag:s13] =	ssyncset.done $0x0  }
0x22: {  	[sflag:s13] =	ssyncadd.s32 $0xFFFFD880  }
0x23: {  	[tilespmem:s14], [sflag:$0x3] =	stream.linear.gather [hbm4b:s10+s4], $0x2780, $0x38;
	[tilespmem:$0xDF00] =	vst v63  }
0x24: {  	_ =	swait.ge [sflag:s13], $0x2780  }
0x25: {  	[sflag:s13] =	ssyncset.done $0x0  }
0x26: {  	[sflag:s13] =	ssyncadd.s32 $0xFFFFD880  }
0x27: {  	[spmem:s16], [sflag:s15] =	dma.local [hbm:s6], $0xA00  }
.Ltmp2:
0x28: {  	_ =	swait.ge [sflag:s13], $0xA00;
	(pc) =	sbr.rel @p0 .LBB2_5-.Ltmp2, $3  }
0x29: {  	[sflag:s13] =	ssyncset.done $0x0  }
0x2a: {  	[sflag:s13] =	ssyncadd.s32 $0xFFFFF600  }
0x2b: {  	[bflag:$0x0] =	sbarrier.arrive $0xFFFF;
	_ =	sdelay $0x1  }
0x2c: {  	[tilespmem:s18], [sflag:$0x1] =	stream.indirect.gather [hbm4b:s1+s17], $0x20, s4, s17, $0xb8;
	[tilespmem:$0xDF00] =	vst v63  }
0x2d: {  	_ = 	snop  }
0x2e: {  	[tilespmem:s19], [sflag:$0x1] =	stream.indirect.gather [hbm4b:s1+s17], $0x20, s17, s17, $0xb8;
	[tilespmem:$0xDF00] =	vst v63  }
0x2f: {  	_ =	swait.ge [sflag:s20], $0x1000  }
0x30: {  	[sflag:s20] =	ssyncset.done $0x0  }
0x31: {  	s0 =	simm.s32 $0x100;
	[sflag:s20] =	ssyncadd.s32 $0xFFFFF000  }
0x32: {  	[tilespmem:s22], [sflag:$0x1] =	stream.indirect.gather [hbm4b:s1+s17], $0x20, s0, s17, $0xb8;
	[tilespmem:$0xDF00] =	vst v63  }
0x33: {  	_ = 	snop  }
0x34: {  	[spmem:s3] =	stream.indirect.scatter.add.bf16 [tilespmem:s18], [sflag:$0x2], $0x20, s14, s17, $0xb8;
	[tilespmem:$0xDF00] =	vst v63  }
0x35: {  	_ =	swait.ge [sflag:s20], $0x1000  }
0x36: {  	[sflag:s20] =	ssyncset.done $0x0  }
0x37: {  	[sflag:s20] =	ssyncadd.s32 $0xFFFFF000  }
0x38: {  	[tilespmem:s24], [sflag:$0x1] =	stream.indirect.gather [hbm4b:s1+s17], $0x20, s23, s17, $0xb8;
	[tilespmem:$0xDF00] =	vst v63  }
0x39: {  	_ = 	snop  }
0x3a: {  	[spmem:s3] =	stream.indirect.scatter.add.bf16 [tilespmem:s19], [sflag:$0x2], $0x20, s25, s17, $0xb8;
	[tilespmem:$0xDF00] =	vst v63  }
0x3b: {  	_ =	swait.ge [sflag:s20], $0x1000  }
0x3c: {  	s2 =	simm.s32 $0x200;
	[sflag:s20] =	ssyncset.done $0x0  }
0x3d: {  	p1 =	por $0x0, $0x0;
	s0 =	simm.s32 $0x10000;
	[sflag:s20] =	ssyncadd.s32 $0xFFFFF000  }
0x3e: {  	s29 =	simm.s32 $0x8000;
	s0 =	sand.u32 @!p1 $0xC000, s0;
	_ =	swait.ge [sflag:s26], $0x1000  }
0x3f: {  	s7 =	simm.s32 @!p1 $0x80;
	s0 =	sshrl.u32 @!p1 s0, $0x2;
	[sflag:s26] =	ssyncset.done $0x0  }
0x40: {  	s31 =	sand.u32 $0xC000, s29;
	s0 =	sor.u32 @!p1 $0x4F00, s0;
	[sflag:s26] =	ssyncadd.s32 $0xFFFFF000  }
0x41: {  	[tilespmem:s0], [sflag:$0x1] =	stream.indirect.gather @!p1 [hbm4b:s1+s7], $0x20, s2, s7, $0xb8;
	[tilespmem:$0xDF00] =	vst v63  }
0x42: {  	s30 =	simm.s32 $0x3;
	s29 =	simm.s32 $0x2880;
	s7 =	sshrl.u32 s31, $0x2  }
0x43: {  	s31 =	simm.s32 $0x14000;
	s0 =	simm.s32 $0x280;
	s2 =	simm.s32 $0x2880  }
.LBB2_3:
0x44: {  	s7 =	sor.u32 $0x4F00, s7  }
0x45: {  	s29 =	sadd.s32 $0x80, s29;
	s8 =	smov.u32 s30;
	s30 =	sadd.s32 $0x1, s30  }
0x46: {  	[spmem:s3] =	stream.indirect.scatter.add.bf16 [tilespmem:s7], [sflag:$0x2], $0x20, s2, s17, $0xb8;
	[tilespmem:$0xDF00] =	vst v63  }
0x47: {  	p1 =	seq.s32 s30, $0x4F;
	s2 =	smov.u32 s29;
	_ =	swait.ge [sflag:s20], $0x1000  }
0x48: {  	p2 =	sgt.u32 s8, $0x4C;
	[sflag:s20] =	ssyncset.done $0x0  }
0x49: {  	s7 =	sand.u32 @!p2 $0xC000, s31;
	[sflag:s20] =	ssyncadd.s32 $0xFFFFF000  }
.Ltmp3:
0x4a: {  	s8 =	simm.s32 @!p2 $0x80;
	_ =	swait.ge [sflag:s26], $0x1000;
	(pc) =	sbr.rel @!p1 .LBB2_3-.Ltmp3, $4  }
0x4b: {  	s21 =	sadd.s32 $0xFFFF8000, s31;
	s7 =	sshrl.u32 @!p2 s7, $0x2;
	[sflag:s26] =	ssyncset.done $0x0  }
0x4c: {  	s21 =	sand.u32 $0xC000, s21;
	s7 =	sor.u32 @!p2 $0x4F00, s7;
	[sflag:s26] =	ssyncadd.s32 $0xFFFFF000  }
0x4d: {  	[tilespmem:s7], [sflag:$0x1] =	stream.indirect.gather @!p2 [hbm4b:s1+s8], $0x20, s0, s8, $0xb8;
	[tilespmem:$0xDF00] =	vst v63  }
0x4e: {  	s31 =	sadd.s32 $0x4000, s31;
	s7 =	sshrl.u32 s21, $0x2;
	s0 =	sadd.s32 $0x80, s0  }
.Ltmp4:
0x4f: {  	(pc) =	sbr.rel .LBB2_8-.Ltmp4, $4  }
0x50: {  	_ = 	snop  }
0x51: {  	s0 =	sor.u32 $0x4F00, s7  }
0x52: {  	[spmem:s3] =	stream.indirect.scatter.add.bf16 [tilespmem:s0], [sflag:$0x2], $0x20, s2, s17, $0xb8;
	[tilespmem:$0xDF00] =	vst v63  }
0x53: {  	s0 =	rddreg [dreg:$0x4]  }
.LBB2_5:
0x54: {  	[tilespmem:s18], [sflag:$0x1] =	stream.indirect.gather [hbm4b:s5+s17], $0x20, s4, s17, $0xb8;
	[tilespmem:$0xDF00] =	vst v63  }
0x55: {  	_ = 	snop  }
0x56: {  	[tilespmem:s19], [sflag:$0x1] =	stream.indirect.gather [hbm4b:s5+s17], $0x20, s17, s17, $0xb8;
	[tilespmem:$0xDF00] =	vst v63  }
0x57: {  	_ =	swait.ge [sflag:s20], $0x1000  }
0x58: {  	[sflag:s20] =	ssyncset.done $0x0  }
0x59: {  	s0 =	simm.s32 $0x100;
	[sflag:s20] =	ssyncadd.s32 $0xFFFFF000  }
0x5a: {  	[tilespmem:s22], [sflag:$0x1] =	stream.indirect.gather [hbm4b:s5+s17], $0x20, s0, s17, $0xb8;
	[tilespmem:$0xDF00] =	vst v63  }
0x5b: {  	_ = 	snop  }
0x5c: {  	[spmem:s3] =	stream.indirect.scatter.add.bf16 [tilespmem:s18], [sflag:$0x2], $0x20, s14, s17, $0xb8;
	[tilespmem:$0xDF00] =	vst v63  }
0x5d: {  	_ =	swait.ge [sflag:s20], $0x1000  }
0x5e: {  	[sflag:s20] =	ssyncset.done $0x0  }
0x5f: {  	[sflag:s20] =	ssyncadd.s32 $0xFFFFF000  }
0x60: {  	[tilespmem:s24], [sflag:$0x1] =	stream.indirect.gather [hbm4b:s5+s17], $0x20, s23, s17, $0xb8;
	[tilespmem:$0xDF00] =	vst v63  }
0x61: {  	_ = 	snop  }
0x62: {  	[spmem:s3] =	stream.indirect.scatter.add.bf16 [tilespmem:s19], [sflag:$0x2], $0x20, s25, s17, $0xb8;
	[tilespmem:$0xDF00] =	vst v63  }
0x63: {  	s2 =	simm.s32 $0x200;
	p1 =	por $0x0, $0x0;
	_ =	swait.ge [sflag:s20], $0x1000  }
0x64: {  	s8 =	simm.s32 $0x8000;
	s29 =	simm.s32 $0x2880;
	[sflag:s20] =	ssyncset.done $0x0  }
0x65: {  	s30 =	simm.s32 $0x3;
	s0 =	simm.s32 $0x10000;
	[sflag:s20] =	ssyncadd.s32 $0xFFFFF000  }
0x66: {  	s31 =	simm.s32 $0x14000;
	s0 =	sand.u32 @!p1 $0xC000, s0;
	_ =	swait.ge [sflag:s26], $0x1000  }
0x67: {  	s7 =	simm.s32 @!p1 $0x80;
	s0 =	sshrl.u32 @!p1 s0, $0x2;
	[sflag:s26] =	ssyncset.done $0x0  }
0x68: {  	s8 =	sand.u32 $0xC000, s8;
	s0 =	sor.u32 @!p1 $0x4F00, s0;
	[sflag:s26] =	ssyncadd.s32 $0xFFFFF000  }
0x69: {  	[tilespmem:s0], [sflag:$0x1] =	stream.indirect.gather @!p1 [hbm4b:s5+s7], $0x20, s2, s7, $0xb8;
	[tilespmem:$0xDF00] =	vst v63  }
0x6a: {  	s7 =	sshrl.u32 s8, $0x2;
	s0 =	simm.s32 $0x280;
	s2 =	simm.s32 $0x2880  }
.LBB2_6:
0x6b: {  	s7 =	sor.u32 $0x4F00, s7  }
0x6c: {  	s29 =	sadd.s32 $0x80, s29;
	s8 =	smov.u32 s30;
	s30 =	sadd.s32 $0x1, s30  }
0x6d: {  	[spmem:s3] =	stream.indirect.scatter.add.bf16 [tilespmem:s7], [sflag:$0x2], $0x20, s2, s17, $0xb8;
	[tilespmem:$0xDF00] =	vst v63  }
0x6e: {  	p1 =	sne.s32 s30, $0x4F;
	s2 =	smov.u32 s29;
	_ =	swait.ge [sflag:s20], $0x1000  }
0x6f: {  	p2 =	sgt.u32 s8, $0x4C;
	[sflag:s20] =	ssyncset.done $0x0  }
0x70: {  	s7 =	sand.u32 @!p2 $0xC000, s31;
	[sflag:s20] =	ssyncadd.s32 $0xFFFFF000  }
.Ltmp5:
0x71: {  	s8 =	simm.s32 @!p2 $0x80;
	_ =	swait.ge [sflag:s26], $0x1000;
	(pc) =	sbr.rel @p1 .LBB2_6-.Ltmp5, $4  }
0x72: {  	s21 =	sadd.s32 $0xFFFF8000, s31;
	s7 =	sshrl.u32 @!p2 s7, $0x2;
	[sflag:s26] =	ssyncset.done $0x0  }
0x73: {  	s21 =	sand.u32 $0xC000, s21;
	s7 =	sor.u32 @!p2 $0x4F00, s7;
	[sflag:s26] =	ssyncadd.s32 $0xFFFFF000  }
0x74: {  	[tilespmem:s7], [sflag:$0x1] =	stream.indirect.gather @!p2 [hbm4b:s5+s8], $0x20, s0, s8, $0xb8;
	[tilespmem:$0xDF00] =	vst v63  }
0x75: {  	s31 =	sadd.s32 $0x4000, s31;
	s7 =	sshrl.u32 s21, $0x2;
	s0 =	sadd.s32 $0x80, s0  }
.Ltmp6:
0x76: {  	_ = 	snop;
	(pc) =	sbr.rel .LBB2_7-.Ltmp6, $1  }
0x77: {  	_ =	sdelay $0x3  }
.LBB2_9:
0x78: {  	_ =	sfence.sel $0x180000  }
0x79: {  	[bflag:$0x0] =	sbarrier.arrive $0xFFFF  }
0x7a: {  	_ =	strace $0x9000004D  }
0x7b: {  	s0 =	stileid.u32;
	[bflag:$0x2] =	sbarrier.arrive $0xFFFF  }
0x7c: {  	p0 =	sne.s32 s0, $0x0;
	s0 =	rddreg [dreg:$0x3]  }
0x7d: {  	s0 =	sadd.s32 @!p0 $0x100000, s0  }
0x7e: {  	[sflag:s0] =	ssyncadd.tile.s32 @!p0 $0x1;
	_ =	shalt  }
.Lfunc_end2:
_tile_overlayer_lowered:
.L_overlay_start_2:
0x7f: {  	(tag) =	ssettag $0x2  }
0x80: {  	s0 =	rddreg [dreg:$0x0];
	s2 =	stileid.u32  }
0x81: {  	s1 =	rddreg [dreg:$0x1];
	p0 =	sne.s32 s2, $0x0  }
0x82: {  	s3 =	rddreg [dreg:$0x2];
	[bflag:$0x3] =	sbarrier.arrive $0xFFFF;
	s2 =	simm.s32 @!p0 $0x1C03  }
0x83: {  	[timem:s3], [sflag:s2] =	dma.local @!p0 [hbm:s0], s1  }
0x84: {  	s0 =	simm.s32 @!p0 $0x3  }
0x85: {  	_ =	swait.ge @!p0 [sflag:s0], s1  }
0x86: {  	s1 =	ssub.s32 @!p0 $0x0, s1;
	[sflag:s0] =	ssyncset.done @!p0 $0x0  }
0x87: {  	[sflag:s0] =	ssyncadd.s32 @!p0 s1  }
0x88: {  	[bflag:$0x3] =	sbarrier.arrive $0xFFFF  }
0x89: {  	_ =	shalt  }

// kernel: kernel.8.cloned.1.call-start
scs
__scs_entry_jumppad:
0x0: {  	(pc) =	sbr.rel $0x88, $3  }
0x1: {  	(tag) =	ssettag $0x0;
	lr =	simm.s32 $0x1  }
0x2: {  	[smem:$0x3F9B] =	sst lr;
	_ =	strace $0xD0000000  }
0x3: {  	_ = 	snop  }
0x4: {  	_ = 	snop  }
0x5: {  	_ = 	snop  }
0x6: {  	_ = 	snop  }
0x7: {  	_ = 	snop  }
__scs_overlays_trampoline_lowered:
0x8: {  	[smem:$0x3FAA] =	sst s0  }
0x9: {  	[smem:$0x3FAB] =	sst s1  }
0xa: {  	[smem:$0x3FAC] =	sst s2  }
0xb: {  	[smem:$0x3FAD] =	sst s3  }
0xc: {  	[smem:$0x3FAE] =	sst s4  }
0xd: {  	[smem:$0x3FAF] =	sst s5  }
0xe: {  	[smem:$0x3FB0] =	sst s6  }
0xf: {  	[smem:$0x3FB1] =	sst s7  }
0x10: {  	[smem:$0x3FB2] =	sst s8  }
0x11: {  	[smem:$0x3FB3] =	sst s9;
	s0 =	simm.s32 @!p0 $0x0  }
0x12: {  	s1 =	sld [smem:$0x3F99];
	s0 =	simm.s32 @p0 $0x1  }
0x13: {  	[smem:$0x3FB4] =	sst s0;
	s0 =	simm.s32 @!p1 $0x0  }
0x14: {  	s2 =	sld [smem:$0x3F98];
	s0 =	simm.s32 @p1 $0x1  }
0x15: {  	[smem:$0x3FB5] =	sst s0;
	s0 =	simm.s32 @!p2 $0x0  }
0x16: {  	s3 =	sld [smem:$0x3FDB];
	s0 =	simm.s32 @p2 $0x1  }
0x17: {  	s4 =	simm.s32 $0x1BF5;
	[smem:$0x3FB7] =	sst s0  }
0x18: {  	s0 =	sld [smem:$0x3F9A];
	_ =	swait.ge [sflag:s4], $0x0  }
0x19: {  	s7 =	sld [smem:$0x3F9B]  }
0x1a: {  	s8 =	sadd.s32 $0xFFFFE003, lr  }
0x1b: {  	s9 =	sadd.s32 $0xFFFFFEF7, lr;
	s5 =	simm.s32 $0xFFFFFFFF;
	p2 =	slt.u32 s8, $0xFFFFF086  }
0x1c: {  	p1 =	slt.u32 s9, $0xF7A;
	s5 =	simm.s32 @!p2 $0x0  }
0x1d: {  	s5 =	simm.s32 @p1 $0x1;
	p0 =	seq.s32 s7, s2  }
0x1e: {  	s7 =	smul.u32 @!p0 $0xF7A, s2;
	p2 =	seq.s32 @!p0 s5, $0x0  }
0x1f: {  	s9 =	smul.u32 $0xF7A, s1;
	s8 =	simm.s32 @!p0 $0x1BF5;
	p2 =	por !p2, p0  }
0x20: {  	[sflag:s8] =	ssyncset.s32 @!p0 $0xFFFFF086;
	s6 =	sadd.s32 @!p0 s3, s7;
	s7 =	simm.s32 @!p0 $0x108  }
0x21: {  	s3 =	sadd.s32 s3, s9;
	s6 =	sadd.s32 @!p0 $0x88, s6;
	s7 =	simm.s32 @p2 $0x1082  }
0x22: {  	[simem:s7], [sflag:s8] =	dma.local @!p0 [hbm:s6], $0xF7A  }
0x23: {  	s9 =	sor.u32 $0xD0000000, s2;
	s6 =	simm.s32 $0x108;
	_ =	swait.ge @!p0 [sflag:s8], $0x0  }
0x24: {  	s3 =	sadd.s32 $0x88, s3;
	s6 =	simm.s32 @!p1 $0x1082;
	[sflag:s4] =	ssyncset.s32 $0xFFFFF086  }
0x25: {  	[simem:s6], [sflag:s4] =	dma.local [hbm:s3], $0xF7A  }
0x26: {  	[smem:$0x3F9B] =	sst s1;
	(tag) =	ssettag s2;
	_ =	strace s9  }
0x27: {  	s1 =	sld [smem:$0x3FAB]  }
0x28: {  	s2 =	sld [smem:$0x3FAC]  }
0x29: {  	s4 =	sld [smem:$0x3FAE]  }
0x2a: {  	p0 =	seq.s32 s5, $0x0;
	s5 =	sld [smem:$0x3FAF]  }
0x2b: {  	s6 =	sld [smem:$0x3FB0]  }
0x2c: {  	s7 =	sld [smem:$0x3FB1]  }
0x2d: {  	s3 =	simm.s32 $0x108;
	s8 =	sld [smem:$0x3FB2]  }
0x2e: {  	s3 =	simm.s32 @!p0 $0x1082;
	s9 =	sld [smem:$0x3FB3]  }
0x2f: {  	lr =	sadd.s32 s0, s3;
	s0 =	sld [smem:$0x3FAA]  }
0x30: {  	s3 =	sld [smem:$0x3FAD]  }
0x31: {  	[smem:$0x3FB6] =	sst s10  }
0x32: {  	s10 =	sld [smem:$0x3FB4];
	_ =	sdelay $0x3  }
0x33: {  	p0 =	seq.s32 s10, $0x1;
	s10 =	sld [smem:$0x3FB6];
	_ =	sdelay $0x3  }
0x34: {  	[smem:$0x3FB6] =	sst s10  }
0x35: {  	s10 =	sld [smem:$0x3FB5];
	_ =	sdelay $0x3  }
0x36: {  	p1 =	seq.s32 s10, $0x1;
	s10 =	sld [smem:$0x3FB6];
	_ =	sdelay $0x3  }
0x37: {  	[smem:$0x3FB6] =	sst s10  }
0x38: {  	s10 =	sld [smem:$0x3FB7]  }
0x39: {  	_ = 	snop;
	(pc) =	sbr.ind lr, $3  }
0x3a: {  	_ = 	snop  }
0x3b: {  	_ = 	snop  }
0x3c: {  	p2 =	seq.s32 s10, $0x1;
	s10 =	sld [smem:$0x3FB6]  }
0x3d: {  	_ =	shalt  }
0x3e: {  	_ =	shalt  }
0x3f: {  	_ =	shalt  }
0x40: {  	_ =	shalt  }
0x41: {  	_ =	shalt  }
0x42: {  	_ =	shalt  }
0x43: {  	_ =	shalt  }
0x44: {  	_ =	shalt  }
0x45: {  	_ =	shalt  }
0x46: {  	_ =	shalt  }
0x47: {  	_ =	shalt  }
0x48: {  	_ =	shalt  }
0x49: {  	_ =	shalt  }
0x4a: {  	_ =	shalt  }
0x4b: {  	_ =	shalt  }
0x4c: {  	_ =	shalt  }
0x4d: {  	_ =	shalt  }
0x4e: {  	_ =	shalt  }
0x4f: {  	_ =	shalt  }
0x50: {  	_ =	shalt  }
0x51: {  	_ =	shalt  }
0x52: {  	_ =	shalt  }
0x53: {  	_ =	shalt  }
0x54: {  	_ =	shalt  }
0x55: {  	_ =	shalt  }
0x56: {  	_ =	shalt  }
0x57: {  	_ =	shalt  }
0x58: {  	_ =	shalt  }
0x59: {  	_ =	shalt  }
0x5a: {  	_ =	shalt  }
0x5b: {  	_ =	shalt  }
0x5c: {  	_ =	shalt  }
0x5d: {  	_ =	shalt  }
0x5e: {  	_ =	shalt  }
0x5f: {  	_ =	shalt  }
0x60: {  	_ =	shalt  }
0x61: {  	_ =	shalt  }
0x62: {  	_ =	shalt  }
0x63: {  	_ =	shalt  }
0x64: {  	_ =	shalt  }
0x65: {  	_ =	shalt  }
0x66: {  	_ =	shalt  }
0x67: {  	_ =	shalt  }
0x68: {  	_ =	shalt  }
0x69: {  	_ =	shalt  }
0x6a: {  	_ =	shalt  }
0x6b: {  	_ =	shalt  }
0x6c: {  	_ =	shalt  }
0x6d: {  	_ =	shalt  }
0x6e: {  	_ =	shalt  }
0x6f: {  	_ =	shalt  }
0x70: {  	_ =	shalt  }
0x71: {  	_ =	shalt  }
0x72: {  	_ =	shalt  }
0x73: {  	_ =	shalt  }
0x74: {  	_ =	shalt  }
0x75: {  	_ =	shalt  }
0x76: {  	_ =	shalt  }
0x77: {  	_ =	shalt  }
0x78: {  	_ =	shalt  }
0x79: {  	_ =	shalt  }
0x7a: {  	_ =	shalt  }
0x7b: {  	_ =	shalt  }
0x7c: {  	_ =	shalt  }
0x7d: {  	_ =	shalt  }
0x7e: {  	_ =	shalt  }
0x7f: {  	_ =	shalt  }
0x80: {  	_ =	shalt  }
0x81: {  	_ =	shalt  }
0x82: {  	_ =	shalt  }
0x83: {  	_ =	shalt  }
0x84: {  	_ =	shalt  }
0x85: {  	_ =	shalt  }
0x86: {  	_ =	shalt  }
0x87: {  	_ =	shalt  }
.Lfunc_end0:
.L_simem_size_0:
called_computation_lowered:
.L_overlay_start_0:
0x88: {  	s2 =	sld [smem:$0x3FD9]  }
0x89: {  	s3 =	sld [smem:$0x3FFE];
	_ =	sdelay $0x1  }
0x8a: {  	s1 =	srdreg.scid  }
0x8b: {  	s0 =	sand.u32 $0x1, s1  }
0x8c: {  	s17 =	sshll.u32 s0, $0xA;
	s2 =	sadd.s32 s3, s2  }
0x8d: {  	s2 =	sadd.s32 s2, s17  }
0x8e: {  	[smem:$0x3FC2] =	sst s2  }
0x8f: {  	_ = 	snop  }
0x90: {  	s2 =	sld [smem:$0x3FD0];
	(tm) =	ssettm $0x1  }
0x91: {  	s18 =	sld [smem:$0x3FFB];
	_ =	sdelay $0x3  }
0x92: {  	_ =	strace s18  }
0x93: {  	s3 =	sld [smem:$0x3FFC];
	_ =	sdelay $0x3  }
0x94: {  	_ =	strace s3  }
0x95: {  	s3 =	sld [smem:$0x3FFD];
	_ =	sdelay $0x3  }
0x96: {  	_ =	strace s3  }
0x97: {  	_ =	strace $0x8FFFFFFF  }
0x98: {  	s19 =	sld [smem:$0x3FDB];
	_ =	sdelay $0x1  }
0x99: {  	s4 =	simm.s32 $_scs_section_size  }
0x9a: {  	s5 =	simm.s32 $_size__tile_overlayer_lowered;
	s6 =	simm.s32 $_tile_overlayer_lowered  }
0x9b: {  	s22 =	simm.s32 $0x1BFF;
	s21 =	sshll.u32 s6, $0x1;
	s3 =	sadd.s32 s4, s19  }
0x9c: {  	s7 =	simm.s32 $0x0;
	s20 =	sshll.u32 s5, $0x1;
	s5 =	sadd.s32 s21, s3  }
0x9d: {  	[timem:s7], [sflag:s22] =	dma.local [hbm:s5], s20  }
0x9e: {  	_ =	swait.ge [sflag:s22], s20  }
0x9f: {  	s4 =	ssub.s32 $0x0, s20;
	[sflag:s22] =	ssyncset.done $0x0  }
0xa0: {  	[sflag:s22] =	ssyncadd.s32 s4;
	_ =	sdelay $0x1  }
0xa1: {  	s23 =	simm.s32 $0x1B8B  }
0xa2: {  	_ =	swait.ge [sflag:s23], $0x1  }
0xa3: {  	[sflag:s23] =	ssyncset.done $0x0  }
0xa4: {  	s25 =	simm.s32 $0x1B8E;
	s24 =	sld [smem:$0x3FFE];
	[sflag:s23] =	ssyncadd.s32 $0xFFFFFFFF  }
0xa5: {  	s26 =	simm.s32 $execute0_lowered;
	[smem:$0x3FD2] =	sst s25  }
0xa6: {  	s5 =	sshll.u32 s26, $0x1;
	_ =	strace $0x80000046;
	[dreg:$0x1] =	wrdreg $0xFFFFFFFF  }
0xa7: {  	s28 =	simm.s32 $_size_execute0_lowered;
	s3 =	sadd.s32 s3, s5;
	[dreg:$0x0] =	wrdreg $0x0  }
0xa8: {  	s5 =	sshll.u32 s28, $0x1;
	[dreg:$0x2] =	wrdreg s3  }
0xa9: {  	[dreg:$0x3] =	wrdreg s5  }
0xaa: {  	[dreg:$0x4] =	wrdreg $0xC0  }
0xab: {  	_ =	task [dreg:s7], $0x5FFFF  }
0xac: {  	[dreg:$0x1] =	wrdreg $0xFFFFFFFF  }
0xad: {  	[dreg:$0x0] =	wrdreg $0x60  }
0xae: {  	[dreg:$0x2] =	wrdreg s24  }
0xaf: {  	[dreg:$0x3] =	wrdreg s2  }
0xb0: {  	[dreg:$0x4] =	wrdreg $0x9  }
0xb1: {  	_ =	task.clear_ibuf [dreg:s7], $0x5FFFF;
	_ =	strace $0x90000046  }
0xb2: {  	s29 =	simm.s32 $0x9;
	_ =	strace $0x80000048  }
0xb3: {  	_ =	swait.ge [sflag:s29], $0x1  }
0xb4: {  	[sflag:s29] =	ssyncadd.s32 $0xFFFFFFFF  }
0xb5: {  	_ =	strace $0x90000048  }
0xb6: {  	_ =	sfence  }
0xb7: {  	s30 =	sld [smem:$0x0];
	_ =	sdelay $0x2  }
0xb8: {  	s31 =	sshll.u32 s1, $0xD;
	s1 =	sshrl.u32 s1, $0x2  }
0xb9: {  	s3 =	sand.u32 $0x4000, s31;
	s1 =	sadd.s32 s1, s30  }
0xba: {  	s0 =	sor.u32 s3, s0;
	s1 =	sshll.u32 s1, $0x11  }
0xbb: {  	s0 =	sor.u32 s1, s0  }
0xbc: {  	s0 =	sadd.s32 $0x8F2B, s0  }
0xbd: {  	[sflag:s0] =	ssyncadd.remote.s32 $0x1  }
0xbe: {  	_ =	sfence.sel $0xFFFF  }
0xbf: {  	[dreg:$0x0] =	wrdreg $0xFFFFFFFF;
	(pc) =	sbr.abs _section_cstart, $3  }
0xc0: {  	[dreg:$0x1] =	wrdreg $0xFFFFFFFF  }
0xc1: {  	_ =	task.clear_ibuf [dreg:s7], $0x2FFFF;
	_ =	strace $0x9FFFFFFF  }
0xc2: {  	(tm) =	ssettm $0x7FFFFFFF  }
0xc3: {  	_ =	shalt  }
tec
execute0_lowered:
.L_overlay_start_1:
0x0: {  	(tag) =	ssettag $0x1  }
0x1: {  	s1 =	srdreg.scid;
	s3 =	rddreg [dreg:$0x0]  }
0x2: {  	s0 =	stileid.u32;
	s5 =	rddreg [dreg:$0x1]  }
0x3: {  	s2 =	simm.s32 $0x0;
	s4 =	sand.u32 $0x1, s1;
	s31 =	sshll.u32 s0, $0x1  }
0x4: {  	s10 =	simm.s32 $0x2780;
	s11 =	simm.s32 $0x4F80;
	s6 =	sor.u32 s4, s31  }
0x5: {  	s12 =	simm.s32 $0x0;
	s4 =	ssub.s32 $0x2, s4;
	s7 =	smul.u32 $0x278, s6  }
0x6: {  	[smem:$0x7FF] =	sst s2;
	s6 =	smul.u32 $0x500, s6;
	s8 =	sshrl.u32 s4, $0x1  }
0x7: {  	s1 =	rddreg [dreg:$0x2];
	_ =	strace $0x80000047;
	s8 =	ssub.s32 s4, s8  }
0x8: {  	s7 =	sadd.s32 s7, s3;
	s9 =	sadd.s32 s6, s3;
	s5 =	sadd.s32 s5, s6  }
0x9: {  	s3 =	sadd.s32 $0x7200, s7;
	s4 =	sadd.s32 $0x2200, s7;
	s6 =	sadd.s32 $0xC200, s9  }
0xa: {  	v0 =	vimm.f32 $0.0e+00;
	v1 =	vimm.f32 $1.000000000e+00;
	s7 =	smax.u32 s8, $0x1;
	s8 =	simm.s32 $0x1;
	s9 =	simm.s32 $0x13C0  }
.LBB2_1:
0xb: {  	[tilespmem:s2], [sflag:$0x1] =	stream.linear.gather [hbm4b:s3+s2], $0x13C0, $0x38;
	[tilespmem:$0x7780] =	vst v63  }
0xc: {  	_ =	swait.ge [sflag:s8], $0x13C0  }
0xd: {  	[sflag:s8] =	ssyncset.done $0x0  }
0xe: {  	[sflag:s8] =	ssyncadd.s32 $0xFFFFEC40  }
0xf: {  	[tilespmem:s9], [sflag:$0x1] =	stream.linear.gather [hbm4b:s4+s2], $0x13C0, $0x38;
	[tilespmem:$0x7780] =	vst v63  }
0x10: {  	_ =	swait.ge [sflag:s8], $0x13C0  }
0x11: {  	[sflag:s8] =	ssyncset.done $0x0  }
0x12: {  	s13 =	simm.s32 $0x0;
	[sflag:s8] =	ssyncadd.s32 $0xFFFFEC40  }
.LBB2_2:
0x13: {  	p0 =	sne.s32 s13, $0x9FC0  }
.Ltmp0:
0x14: {  	_ = 	snop;
	(pc) =	sbr.rel @p0 .LBB2_2-.Ltmp0, $4  }
0x15: {  	_ = 	snop  }
0x16: {  	s14 =	sshra.s32 s13, $0x2  }
0x17: {  	[tilespmem:s14+$0x2780] =	vst v0  }
0x18: {  	s13 =	sadd.s32 $0x40, s13;
	[tilespmem:s14+$0x4F80] =	vst v0  }
0x19: {  	s14 =	simm.s32 $0x0  }
0x1a: {  	s13 =	simm.s32 $0x40;
	v2 =	vld [tilespmem:s14+$0x0]  }
.LBB2_4:
0x1b: {  	p0 =	sne.s32 s13, $0x4EC0;
	v3 =	vld [tilespmem:s14+$0x13C0];
	_ =	sdelay $0x4  }
.Ltmp1:
0x1c: {  	(pc) =	sbr.rel @p0 .LBB2_4-.Ltmp1, $4  }
0x1d: {  	_ = 	snop  }
0x1e: {  	[tilespmem:v2+s10+$0x0] =	vst.idx.add.f32.msk $0xffff, v1  }
0x1f: {  	s14 =	sshra.s32 s13, $0x2;
	[tilespmem:v3+s11+$0x0] =	vst.idx.add.f32.msk $0xffff, v1  }
0x20: {  	s13 =	sadd.s32 $0x40, s13;
	v2 =	vld [tilespmem:s14+$0x0]  }
0x21: {  	_ = 	snop  }
0x22: {  	v3 =	vld [tilespmem:s14+$0x13C0];
	_ =	sdelay $0x6  }
0x23: {  	[tilespmem:v2+s10+$0x0] =	vst.idx.add.f32.msk $0xffff, v1  }
0x24: {  	[tilespmem:v3+s11+$0x0] =	vst.idx.add.f32.msk $0xffff, v1  }
0x25: {  	[hbm4b:s5+s2] =	stream.linear.scatter [tilespmem:s10], [sflag:$0x1], $0x2800, $0x38;
	[tilespmem:$0x7780] =	vst v63  }
0x26: {  	s12 =	sadd.s32 $0x1, s12;
	_ =	swait.ge [sflag:s8], $0x2800  }
0x27: {  	p0 =	sne.s32 s12, s7;
	[sflag:s8] =	ssyncset.done $0x0  }
.Ltmp2:
0x28: {  	[sflag:s8] =	ssyncadd.s32 $0xFFFFD800;
	(pc) =	sbr.rel @p0 .LBB2_1-.Ltmp2, $4  }
0x29: {  	[hbm4b:s6+s2] =	stream.linear.scatter [tilespmem:s11], [sflag:$0x1], $0x2800, $0x38;
	[tilespmem:$0x7780] =	vst v63  }
0x2a: {  	_ =	swait.ge [sflag:s8], $0x2800  }
0x2b: {  	[sflag:s8] =	ssyncset.done $0x0  }
0x2c: {  	[sflag:s8] =	ssyncadd.s32 $0xFFFFD800  }
0x2d: {  	_ =	sfence.sel $0x180000  }
0x2e: {  	[bflag:$0x0] =	sbarrier.arrive $0xFFFF  }
0x2f: {  	p0 =	sne.s32 s0, $0x0;
	_ =	strace $0x90000047  }
0x30: {  	s0 =	sadd.s32 @!p0 $0x100000, s1;
	[bflag:$0x2] =	sbarrier.arrive $0xFFFF  }
0x31: {  	[sflag:s0] =	ssyncadd.tile.s32 @!p0 $0x1;
	_ =	shalt  }
.Lfunc_end2:
_tile_overlayer_lowered:
.L_overlay_start_2:
0x32: {  	(tag) =	ssettag $0x2  }
0x33: {  	s0 =	rddreg [dreg:$0x0];
	s2 =	stileid.u32  }
0x34: {  	s1 =	rddreg [dreg:$0x1];
	p0 =	sne.s32 s2, $0x0  }
0x35: {  	s3 =	rddreg [dreg:$0x2];
	[bflag:$0x3] =	sbarrier.arrive $0xFFFF;
	s2 =	simm.s32 @!p0 $0x1C01  }
0x36: {  	[timem:s3], [sflag:s2] =	dma.local @!p0 [hbm:s0], s1  }
0x37: {  	s0 =	simm.s32 @!p0 $0x1  }
0x38: {  	_ =	swait.ge @!p0 [sflag:s0], s1  }
0x39: {  	s1 =	ssub.s32 @!p0 $0x0, s1;
	[sflag:s0] =	ssyncset.done @!p0 $0x0  }
0x3a: {  	[sflag:s0] =	ssyncadd.s32 @!p0 s1  }
0x3b: {  	[bflag:$0x3] =	sbarrier.arrive $0xFFFF  }
0x3c: {  	_ =	shalt  }

</sc_bundles>
